<compile_context>
chip_gen: v7x
topology: tpu7x:2x2x1
jax: 0.10.2.dev20260603
libtpu: 0.0.44.dev20260713+nightly
codegen_flags: <defaults>
</compile_context>

<pallas_src>
import functools

import jax
import jax.numpy as jnp
from jax import lax
from jax.experimental import pallas as pl
from jax.experimental.pallas import tpu as pltpu
from jax.experimental.pallas import tpu_sc as plsc

N_NODES = 10000
N_EDGES = 320000
D_NODE = 128
D_EDGE = 16

NC = 2
NS = 16
NW = NC * NS
EDGES_PER_W = N_EDGES // NW
CHUNK = 400
CHUNKS_PER_W = EDGES_PER_W // CHUNK
GROUPS = CHUNK // 16


def _lrelu(v):
    return jnp.maximum(v, v * 0.1)



def _node_proj_body(x_ref, w_ref, z_ref):
    z_ref[...] = lax.dot_general(
        w_ref[...], x_ref[...], (((0,), (1,)), ((), ())),
        preferred_element_type=jnp.float32, precision=lax.Precision.HIGHEST)


def _node_proj_t(x, wsd):
    return pl.pallas_call(
        _node_proj_body,
        grid=(1,),
        in_specs=[
            pl.BlockSpec((N_NODES, D_NODE), lambda i: (0, 0)),
            pl.BlockSpec((D_NODE, 12), lambda i: (0, 0)),
        ],
        out_specs=pl.BlockSpec((12, N_NODES), lambda i: (0, 0)),
        out_shape=jax.ShapeDtypeStruct((12, N_NODES), jnp.float32),
    )(x, wsd)


def _edge_proj_body(et_ref, wt_ref, bt_ref, z_ref):
    z = lax.dot_general(
        wt_ref[...], et_ref[...], (((1,), (0,)), ((), ())),
        preferred_element_type=jnp.float32, precision=lax.Precision.HIGHEST)
    z_ref[...] = z + bt_ref[...]


def _edge_proj_t(et, wet, b7t):
    blk = 32000
    grid = N_EDGES // blk
    return pl.pallas_call(
        _edge_proj_body,
        grid=(grid,),
        in_specs=[
            pl.BlockSpec((D_EDGE, blk), lambda i: (0, i)),
            pl.BlockSpec((6, D_EDGE), lambda i: (0, 0)),
            pl.BlockSpec((6, 1), lambda i: (0, 0)),
        ],
        out_specs=pl.BlockSpec((6, blk), lambda i: (0, i)),
        out_shape=jax.ShapeDtypeStruct((6, N_EDGES), jnp.float32),
    )(et, wet, b7t)


def _tail_body(h_ref, ze_ref, w8t_ref, b8_ref, w81t_ref, b81_ref,
               w9t_ref, b9_ref, out_ref):
    hp = lax.Precision.DEFAULT
    h0 = _lrelu(h_ref[...] + ze_ref[...])
    h1 = lax.dot_general(
        w8t_ref[...], h0, (((1,), (0,)), ((), ())),
        preferred_element_type=jnp.float32, precision=hp) + b8_ref[...]
    h1 = _lrelu(h1)
    h2 = lax.dot_general(
        w81t_ref[...], h1, (((1,), (0,)), ((), ())),
        preferred_element_type=jnp.float32, precision=hp) + b81_ref[...]
    h2 = _lrelu(h2)
    o = lax.dot_general(
        w9t_ref[...], h2, (((1,), (0,)), ((), ())),
        preferred_element_type=jnp.float32, precision=hp) + b9_ref[...]
    o0 = o[0:1, :]
    o1 = o[1:2, :]
    m = jnp.maximum(o0, o1)
    e0 = jnp.exp(o0 - m)
    e1 = jnp.exp(o1 - m)
    inv = 1.0 / (e0 + e1)
    out_ref[...] = jnp.concatenate([e0 * inv, e1 * inv], axis=0)


def _tail(h0t, zet, w8t, b8c, w81t, b81c, w9t, b9c):
    blk = 32000
    grid = N_EDGES // blk
    return pl.pallas_call(
        _tail_body,
        grid=(grid,),
        in_specs=[
            pl.BlockSpec((6, blk), lambda i: (0, i)),
            pl.BlockSpec((6, blk), lambda i: (0, i)),
            pl.BlockSpec((12, 6), lambda i: (0, 0)),
            pl.BlockSpec((12, 1), lambda i: (0, 0)),
            pl.BlockSpec((6, 12), lambda i: (0, 0)),
            pl.BlockSpec((6, 1), lambda i: (0, 0)),
            pl.BlockSpec((2, 6), lambda i: (0, 0)),
            pl.BlockSpec((2, 1), lambda i: (0, 0)),
        ],
        out_specs=pl.BlockSpec((2, blk), lambda i: (0, i)),
        out_shape=jax.ShapeDtypeStruct((2, N_EDGES), jnp.float32),
    )(h0t, zet, w8t, b8c, w81t, b81c, w9t, b9c)



def _sc_body(zsd_hbm, ei_hbm, h0t_hbm,
             tbl, idx_s, idx_d, out_buf, sem_g, sem_o):
    wid = lax.axis_index("s") * NC + lax.axis_index("c")

    pltpu.sync_copy(zsd_hbm, tbl)

    def start_fetch(j, par):
        gid = wid * CHUNKS_PER_W + j
        r0 = gid * CHUNK
        pltpu.async_copy(ei_hbm.at[0, pl.ds(r0, CHUNK)], idx_s.at[par],
                         sem_g.at[par])
        pltpu.async_copy(ei_hbm.at[1, pl.ds(r0, CHUNK)], idx_d.at[par],
                         sem_g.at[par])

    def drain_fetch(par):
        pltpu.make_async_copy(ei_hbm.at[0, pl.ds(0, CHUNK)], idx_s.at[par],
                              sem_g.at[par]).wait()
        pltpu.make_async_copy(ei_hbm.at[1, pl.ds(0, CHUNK)], idx_d.at[par],
                              sem_g.at[par]).wait()

    def drain_out(j, par):
        r0 = (wid * CHUNKS_PER_W + j) * CHUNK
        pltpu.make_async_copy(
            out_buf.at[par], h0t_hbm.at[:, pl.ds(r0, CHUNK)],
            sem_o.at[par]).wait()

    start_fetch(0, 0)

    def chunk_body(j, carry):
        par = lax.rem(j, 2)
        nxt = lax.rem(j + 1, 2)
        gid = wid * CHUNKS_PER_W + j
        r0 = gid * CHUNK

        @pl.when(j + 1 < CHUNKS_PER_W)
        def _():
            start_fetch(j + 1, nxt)

        drain_fetch(par)

        isb = idx_s.at[par]
        idb = idx_d.at[par]
        obf = out_buf.at[par]

        def group_body(g, gcarry):
            g16 = g * 16
            iv_s = isb[pl.ds(g16, 16)]
            iv_d = idb[pl.ds(g16, 16)]
            for k in range(6):
                a = plsc.load_gather(tbl, [iv_s + k * N_NODES])
                b = plsc.load_gather(tbl, [iv_d + (6 + k) * N_NODES])
                obf[k, pl.ds(g16, 16)] = a + b
            return gcarry

        lax.fori_loop(0, GROUPS, group_body, 0)

        @pl.when(j >= 2)
        def _():
            drain_out(j - 2, par)

        pltpu.async_copy(obf, h0t_hbm.at[:, pl.ds(r0, CHUNK)], sem_o.at[par])
        return carry

    lax.fori_loop(0, CHUNKS_PER_W, chunk_body, 0)
    drain_out(CHUNKS_PER_W - 2, lax.rem(CHUNKS_PER_W - 2, 2))
    drain_out(CHUNKS_PER_W - 1, lax.rem(CHUNKS_PER_W - 1, 2))


def _sc_gather_sum(zsd, ei):
    mesh = plsc.VectorSubcoreMesh(core_axis_name="c", subcore_axis_name="s")
    fn = functools.partial(
        pl.kernel,
        out_type=jax.ShapeDtypeStruct((6, N_EDGES), jnp.float32),
        mesh=mesh,
        compiler_params=pltpu.CompilerParams(
            needs_layout_passes=False, use_tc_tiling_on_sc=False),
        scratch_types=[
            pltpu.VMEM((N_NODES * 12,), jnp.float32),
            pltpu.VMEM((2, CHUNK), jnp.int32),
            pltpu.VMEM((2, CHUNK), jnp.int32),
            pltpu.VMEM((2, 6, CHUNK), jnp.float32),
            pltpu.SemaphoreType.DMA((2,)),
            pltpu.SemaphoreType.DMA((2,)),
        ],
    )(_sc_body)
    return fn(zsd, ei)



def kernel(x, e, edge_index, W7, b7, W8, b8, W81, b81, W9, b9):
    ei = edge_index.astype(jnp.int32)

    wsd = W7[:2 * D_NODE].reshape(2, D_NODE, 6).transpose(1, 0, 2).reshape(
        D_NODE, 12)
    wet = W7[2 * D_NODE:].T
    b7t = b7[:, None]

    zsdt = _node_proj_t(x, wsd)
    zet = _edge_proj_t(e.T, wet, b7t)

    h0t = _sc_gather_sum(zsdt.reshape(-1), ei)

    p = _tail(h0t, zet, W8.T, b8[:, None], W81.T, b81[:, None], W9.T,
              b9[:, None])
    return p.T

# --- scband reference (transcript-rebuilt; emitter-appended) ---
"""Pipeline reference for scband-gcn-edge-conv-net4-31593779430172 (READ-ONLY COPY).

The authoritative reference and input builder live on the scoring server;
editing this copy changes nothing except your own understanding.
"""

import jax, jax.numpy as jnp
import numpy as np

N_NODES = 10000
N_EDGES = 320000
D_NODE = 128
D_EDGE = 16
N_CLASSES = 2


def setup_inputs(seed: int = 0) -> dict:
    key = jax.random.key(seed)
    ks = jax.random.split(key, 12)
    x = jax.random.normal(ks[0], (N_NODES, D_NODE), dtype=jnp.float32)
    e = jax.random.normal(ks[1], (N_EDGES, D_EDGE), dtype=jnp.float32)
    edge_index = jax.random.randint(ks[2], (2, N_EDGES), 0, N_NODES, dtype=jnp.int64)
    # EdgeConv(n_node_features_in, n_edge_features_in, 6): per-edge linear on
    # concat([x[src], x[dst], e]) -> 6 features (assumed faithful EdgeConv impl).
    d_in = 2 * D_NODE + D_EDGE
    W7 = jax.random.normal(ks[3], (d_in, 6), dtype=jnp.float32) / np.sqrt(d_in)
    b7 = jnp.zeros((6,), dtype=jnp.float32)
    W8 = jax.random.normal(ks[4], (6, 12), dtype=jnp.float32) / np.sqrt(6.0)
    b8 = jnp.zeros((12,), dtype=jnp.float32)
    W81 = jax.random.normal(ks[5], (12, 6), dtype=jnp.float32) / np.sqrt(12.0)
    b81 = jnp.zeros((6,), dtype=jnp.float32)
    W9 = jax.random.normal(ks[6], (6, N_CLASSES), dtype=jnp.float32) / np.sqrt(6.0)
    b9 = jnp.zeros((N_CLASSES,), dtype=jnp.float32)
    return {"x": x, "e": e, "edge_index": edge_index,
            "W7": W7, "b7": b7, "W8": W8, "b8": b8,
            "W81": W81, "b81": b81, "W9": W9, "b9": b9}


def reference(x, e, edge_index, W7, b7, W8, b8, W81, b81, W9, b9):
    src = edge_index[0]
    dst = edge_index[1]
    # EdgeConv: gather endpoint node features, concat with edge features, linear -> 6
    tt = jnp.concatenate([jnp.take(x, src, axis=0), jnp.take(x, dst, axis=0), e], axis=-1)
    h = tt @ W7 + b7
    h = jax.nn.leaky_relu(h, negative_slope=0.1)
    h = h @ W8 + b8
    h = jax.nn.leaky_relu(h, negative_slope=0.1)
    h = h @ W81 + b81
    h = jax.nn.leaky_relu(h, negative_slope=0.1)
    h = h @ W9 + b9
    return jax.nn.softmax(h, axis=-1)

if __name__ == "__main__":
    import jax
    _d = setup_inputs()
    print(jax.jit(kernel)(*tuple(_d.values())))

</pallas_src>

<mosaic_0001>
#map = affine_map<(d0, d1) -> (0)>
#map1 = affine_map<(d0, d1) -> (0, 0)>
module attributes {stable_mosaic.version = 14 : i64} {
  func.func @_sc_body(%arg0: i32, %arg1: i32, %arg2: memref<120000xf32, #tpu.memory_space<hbm>>, %arg3: memref<2x320000xi32, #tpu.memory_space<hbm>>, %arg4: memref<6x320000xf32, #tpu.memory_space<hbm>>, %arg5: memref<120000xf32, #tpu.memory_space<vmem>>, %arg6: memref<2x400xi32, #tpu.memory_space<vmem>>, %arg7: memref<2x400xi32, #tpu.memory_space<vmem>>, %arg8: memref<2x6x400xf32, #tpu.memory_space<vmem>>, %arg9: memref<2x!tpu.dma_semaphore, #tpu.memory_space<semaphore_mem>>, %arg10: memref<2x!tpu.dma_semaphore, #tpu.memory_space<semaphore_mem>>) attributes {dimension_semantics = [#tpu.dimension_semantics<core_parallel>, #tpu.dimension_semantics<subcore_parallel>], iteration_bounds = array<i64: 2, 16>, scalar_prefetch = 0 : i64, scratch_operands = 6 : i64, tpu.core_type = #tpu.core_type<sc_vector_subcore>, window_params = [{transform_indices = #map}, {transform_indices = #map1}, {transform_indices = #map1}]} {
    %mul3A = arith.constant 2 : i32
    %mul3A_0 = arith.muli %arg1, %mul3A : i32
    %add3A = arith.addi %mul3A_0, %arg0 : i32
    "tpu.region"() ({
      %run_scoped3A = tpu.sem_alloc : memref<!tpu.dma_semaphore, #tpu.memory_space<semaphore_mem>>
      tpu.enqueue_dma source(%arg2 : memref<120000xf32, #tpu.memory_space<hbm>>) target(%arg5 : memref<120000xf32, #tpu.memory_space<vmem>>) target_semaphore(%run_scoped3A : memref<!tpu.dma_semaphore, #tpu.memory_space<semaphore_mem>>)
      tpu.wait_dma2 semaphore(%run_scoped3A : memref<!tpu.dma_semaphore, #tpu.memory_space<semaphore_mem>>) src(%arg2 : memref<120000xf32, #tpu.memory_space<hbm>>) dst(%arg5 : memref<120000xf32, #tpu.memory_space<vmem>>)
      tpu.yield
    }) : () -> ()
    %mul3A_1 = arith.constant 25 : i32
    %mul3A_2 = arith.muli %add3A, %mul3A_1 : i32
    %add3A_3 = arith.constant 0 : i32
    %add3A_4 = arith.addi %mul3A_2, %add3A_3 : i32
    %mul3A_5 = arith.constant 400 : i32
    %mul3A_6 = arith.muli %add3A_4, %mul3A_5 : i32
    %dma_start3A = arith.constant 0 : i32
    %dma_start3A_7 = arith.constant 0 : i32
    %dma_start3A_8 = arith.constant 0 : i32
    %dma_start3A_9 = arith.constant 0 : i32
    %dma_start3A_10 = tpu.memref_slice %arg6[%dma_start3A_7, %dma_start3A_9] : memref<2x400xi32, #tpu.memory_space<vmem>> -> memref<1x400xi32, #tpu.memory_space<vmem>>
    %dma_start3A_11 = tpu.memref_squeeze %dma_start3A_10 : memref<1x400xi32, #tpu.memory_space<vmem>> -> memref<400xi32, #tpu.memory_space<vmem>>
    %dma_start3A_12 = tpu.memref_slice %arg3[%dma_start3A, %mul3A_6] : memref<2x320000xi32, #tpu.memory_space<hbm>> -> memref<1x400xi32, #tpu.memory_space<hbm>>
    %dma_start3A_13 = tpu.memref_squeeze %dma_start3A_12 : memref<1x400xi32, #tpu.memory_space<hbm>> -> memref<400xi32, #tpu.memory_space<hbm>>
    %dma_start3A_14 = tpu.memref_slice %arg9[%dma_start3A_8] : memref<2x!tpu.dma_semaphore, #tpu.memory_space<semaphore_mem>> -> memref<1x!tpu.dma_semaphore, #tpu.memory_space<semaphore_mem>>
    %dma_start3A_15 = tpu.memref_squeeze %dma_start3A_14 : memref<1x!tpu.dma_semaphore, #tpu.memory_space<semaphore_mem>> -> memref<!tpu.dma_semaphore, #tpu.memory_space<semaphore_mem>>
    %dma_start3A_16 = arith.constant 0 : i32
    %dma_start3A_17 = tpu.memref_slice %arg6[%dma_start3A_7, %dma_start3A_16] : memref<2x400xi32, #tpu.memory_space<vmem>> -> memref<1x400xi32, #tpu.memory_space<vmem>>
    %dma_start3A_18 = tpu.memref_squeeze %dma_start3A_17 : memref<1x400xi32, #tpu.memory_space<vmem>> -> memref<400xi32, #tpu.memory_space<vmem>>
    %dma_start3A_19 = tpu.memref_slice %arg3[%dma_start3A, %mul3A_6] : memref<2x320000xi32, #tpu.memory_space<hbm>> -> memref<1x400xi32, #tpu.memory_space<hbm>>
    %dma_start3A_20 = tpu.memref_squeeze %dma_start3A_19 : memref<1x400xi32, #tpu.memory_space<hbm>> -> memref<400xi32, #tpu.memory_space<hbm>>
    tpu.enqueue_dma source(%dma_start3A_20 : memref<400xi32, #tpu.memory_space<hbm>>) target(%dma_start3A_18 : memref<400xi32, #tpu.memory_space<vmem>>) target_semaphore(%dma_start3A_15 : memref<!tpu.dma_semaphore, #tpu.memory_space<semaphore_mem>>)
    %dma_start3A_21 = arith.constant 1 : i32
    %dma_start3A_22 = arith.constant 0 : i32
    %dma_start3A_23 = arith.constant 0 : i32
    %dma_start3A_24 = arith.constant 0 : i32
    %dma_start3A_25 = tpu.memref_slice %arg7[%dma_start3A_22, %dma_start3A_24] : memref<2x400xi32, #tpu.memory_space<vmem>> -> memref<1x400xi32, #tpu.memory_space<vmem>>
    %dma_start3A_26 = tpu.memref_squeeze %dma_start3A_25 : memref<1x400xi32, #tpu.memory_space<vmem>> -> memref<400xi32, #tpu.memory_space<vmem>>
    %dma_start3A_27 = tpu.memref_slice %arg3[%dma_start3A_21, %mul3A_6] : memref<2x320000xi32, #tpu.memory_space<hbm>> -> memref<1x400xi32, #tpu.memory_space<hbm>>
    %dma_start3A_28 = tpu.memref_squeeze %dma_start3A_27 : memref<1x400xi32, #tpu.memory_space<hbm>> -> memref<400xi32, #tpu.memory_space<hbm>>
    %dma_start3A_29 = tpu.memref_slice %arg9[%dma_start3A_23] : memref<2x!tpu.dma_semaphore, #tpu.memory_space<semaphore_mem>> -> memref<1x!tpu.dma_semaphore, #tpu.memory_space<semaphore_mem>>
    %dma_start3A_30 = tpu.memref_squeeze %dma_start3A_29 : memref<1x!tpu.dma_semaphore, #tpu.memory_space<semaphore_mem>> -> memref<!tpu.dma_semaphore, #tpu.memory_space<semaphore_mem>>
    %dma_start3A_31 = arith.constant 0 : i32
    %dma_start3A_32 = tpu.memref_slice %arg7[%dma_start3A_22, %dma_start3A_31] : memref<2x400xi32, #tpu.memory_space<vmem>> -> memref<1x400xi32, #tpu.memory_space<vmem>>
    %dma_start3A_33 = tpu.memref_squeeze %dma_start3A_32 : memref<1x400xi32, #tpu.memory_space<vmem>> -> memref<400xi32, #tpu.memory_space<vmem>>
    %dma_start3A_34 = tpu.memref_slice %arg3[%dma_start3A_21, %mul3A_6] : memref<2x320000xi32, #tpu.memory_space<hbm>> -> memref<1x400xi32, #tpu.memory_space<hbm>>
    %dma_start3A_35 = tpu.memref_squeeze %dma_start3A_34 : memref<1x400xi32, #tpu.memory_space<hbm>> -> memref<400xi32, #tpu.memory_space<hbm>>
    tpu.enqueue_dma source(%dma_start3A_35 : memref<400xi32, #tpu.memory_space<hbm>>) target(%dma_start3A_33 : memref<400xi32, #tpu.memory_space<vmem>>) target_semaphore(%dma_start3A_30 : memref<!tpu.dma_semaphore, #tpu.memory_space<semaphore_mem>>)
    %scan3A = arith.constant 0 : i32
    %scan3A_36 = arith.constant 0 : i32
    %scan3A_37 = arith.constant 25 : i32
    %scan3A_38 = arith.addi %scan3A_36, %scan3A_37 : i32
    %scan3A_39 = arith.constant 1 : i32
    scf.for %scan3A_85 = %scan3A_36 to %scan3A_38 step %scan3A_39  : i32 {
      %rem3A_86 = arith.constant 2 : i32
      %rem3A_87 = arith.remsi %scan3A_85, %rem3A_86 : i32
      %add3A_88 = arith.constant 1 : i32
      %add3A_89 = arith.addi %scan3A_85, %add3A_88 : i32
      %rem3A_90 = arith.constant 2 : i32
      %rem3A_91 = arith.remsi %add3A_89, %rem3A_90 : i32
      %mul3A_92 = arith.constant 25 : i32
      %mul3A_93 = arith.muli %add3A, %mul3A_92 : i32
      %add3A_94 = arith.addi %mul3A_93, %scan3A_85 : i32
      %mul3A_95 = arith.constant 400 : i32
      %mul3A_96 = arith.muli %add3A_94, %mul3A_95 : i32
      %add3A_97 = arith.constant 1 : i32
      %add3A_98 = arith.addi %scan3A_85, %add3A_97 : i32
      %lt3A = arith.constant 25 : i32
      %lt3A_99 = arith.cmpi slt, %add3A_98, %lt3A : i32
      %convert_element_type3A = arith.extui %lt3A_99 : i1 to i32
      %cond3A = arith.constant 0 : i32
      %cond3A_100 = arith.cmpi ne, %convert_element_type3A, %cond3A : i32
      scf.if %cond3A_100 {
        %add3A_155 = arith.constant 1 : i32
        %add3A_156 = arith.addi %scan3A_85, %add3A_155 : i32
        %mul3A_157 = arith.constant 25 : i32
        %mul3A_158 = arith.muli %add3A, %mul3A_157 : i32
        %add3A_159 = arith.addi %mul3A_158, %add3A_156 : i32
        %mul3A_160 = arith.constant 400 : i32
        %mul3A_161 = arith.muli %add3A_159, %mul3A_160 : i32
        %dma_start3A_162 = arith.constant 0 : i32
        %dma_start3A_163 = arith.constant 0 : i32
        %dma_start3A_164 = tpu.memref_slice %arg6[%rem3A_91, %dma_start3A_163] : memref<2x400xi32, #tpu.memory_space<vmem>> -> memref<1x400xi32, #tpu.memory_space<vmem>>
        %dma_start3A_165 = tpu.memref_squeeze %dma_start3A_164 : memref<1x400xi32, #tpu.memory_space<vmem>> -> memref<400xi32, #tpu.memory_space<vmem>>
        %dma_start3A_166 = tpu.memref_slice %arg3[%dma_start3A_162, %mul3A_161] : memref<2x320000xi32, #tpu.memory_space<hbm>> -> memref<1x400xi32, #tpu.memory_space<hbm>>
        %dma_start3A_167 = tpu.memref_squeeze %dma_start3A_166 : memref<1x400xi32, #tpu.memory_space<hbm>> -> memref<400xi32, #tpu.memory_space<hbm>>
        %dma_start3A_168 = tpu.memref_slice %arg9[%rem3A_91] : memref<2x!tpu.dma_semaphore, #tpu.memory_space<semaphore_mem>> -> memref<1x!tpu.dma_semaphore, #tpu.memory_space<semaphore_mem>>
        %dma_start3A_169 = tpu.memref_squeeze %dma_start3A_168 : memref<1x!tpu.dma_semaphore, #tpu.memory_space<semaphore_mem>> -> memref<!tpu.dma_semaphore, #tpu.memory_space<semaphore_mem>>
        %dma_start3A_170 = arith.constant 0 : i32
        %dma_start3A_171 = tpu.memref_slice %arg6[%rem3A_91, %dma_start3A_170] : memref<2x400xi32, #tpu.memory_space<vmem>> -> memref<1x400xi32, #tpu.memory_space<vmem>>
        %dma_start3A_172 = tpu.memref_squeeze %dma_start3A_171 : memref<1x400xi32, #tpu.memory_space<vmem>> -> memref<400xi32, #tpu.memory_space<vmem>>
        %dma_start3A_173 = tpu.memref_slice %arg3[%dma_start3A_162, %mul3A_161] : memref<2x320000xi32, #tpu.memory_space<hbm>> -> memref<1x400xi32, #tpu.memory_space<hbm>>
        %dma_start3A_174 = tpu.memref_squeeze %dma_start3A_173 : memref<1x400xi32, #tpu.memory_space<hbm>> -> memref<400xi32, #tpu.memory_space<hbm>>
        tpu.enqueue_dma source(%dma_start3A_174 : memref<400xi32, #tpu.memory_space<hbm>>) target(%dma_start3A_172 : memref<400xi32, #tpu.memory_space<vmem>>) target_semaphore(%dma_start3A_169 : memref<!tpu.dma_semaphore, #tpu.memory_space<semaphore_mem>>)
        %dma_start3A_175 = arith.constant 1 : i32
        %dma_start3A_176 = arith.constant 0 : i32
        %dma_start3A_177 = tpu.memref_slice %arg7[%rem3A_91, %dma_start3A_176] : memref<2x400xi32, #tpu.memory_space<vmem>> -> memref<1x400xi32, #tpu.memory_space<vmem>>
        %dma_start3A_178 = tpu.memref_squeeze %dma_start3A_177 : memref<1x400xi32, #tpu.memory_space<vmem>> -> memref<400xi32, #tpu.memory_space<vmem>>
        %dma_start3A_179 = tpu.memref_slice %arg3[%dma_start3A_175, %mul3A_161] : memref<2x320000xi32, #tpu.memory_space<hbm>> -> memref<1x400xi32, #tpu.memory_space<hbm>>
        %dma_start3A_180 = tpu.memref_squeeze %dma_start3A_179 : memref<1x400xi32, #tpu.memory_space<hbm>> -> memref<400xi32, #tpu.memory_space<hbm>>
        %dma_start3A_181 = tpu.memref_slice %arg9[%rem3A_91] : memref<2x!tpu.dma_semaphore, #tpu.memory_space<semaphore_mem>> -> memref<1x!tpu.dma_semaphore, #tpu.memory_space<semaphore_mem>>
        %dma_start3A_182 = tpu.memref_squeeze %dma_start3A_181 : memref<1x!tpu.dma_semaphore, #tpu.memory_space<semaphore_mem>> -> memref<!tpu.dma_semaphore, #tpu.memory_space<semaphore_mem>>
        %dma_start3A_183 = arith.constant 0 : i32
        %dma_start3A_184 = tpu.memref_slice %arg7[%rem3A_91, %dma_start3A_183] : memref<2x400xi32, #tpu.memory_space<vmem>> -> memref<1x400xi32, #tpu.memory_space<vmem>>
        %dma_start3A_185 = tpu.memref_squeeze %dma_start3A_184 : memref<1x400xi32, #tpu.memory_space<vmem>> -> memref<400xi32, #tpu.memory_space<vmem>>
        %dma_start3A_186 = tpu.memref_slice %arg3[%dma_start3A_175, %mul3A_161] : memref<2x320000xi32, #tpu.memory_space<hbm>> -> memref<1x400xi32, #tpu.memory_space<hbm>>
        %dma_start3A_187 = tpu.memref_squeeze %dma_start3A_186 : memref<1x400xi32, #tpu.memory_space<hbm>> -> memref<400xi32, #tpu.memory_space<hbm>>
        tpu.enqueue_dma source(%dma_start3A_187 : memref<400xi32, #tpu.memory_space<hbm>>) target(%dma_start3A_185 : memref<400xi32, #tpu.memory_space<vmem>>) target_semaphore(%dma_start3A_182 : memref<!tpu.dma_semaphore, #tpu.memory_space<semaphore_mem>>)
      } else {
      }
      %dma_wait3A_101 = arith.constant 0 : i32
      %dma_wait3A_102 = arith.constant 0 : i32
      %dma_wait3A_103 = tpu.memref_slice %arg6[%rem3A_87, %dma_wait3A_102] : memref<2x400xi32, #tpu.memory_space<vmem>> -> memref<1x400xi32, #tpu.memory_space<vmem>>
      %dma_wait3A_104 = tpu.memref_squeeze %dma_wait3A_103 : memref<1x400xi32, #tpu.memory_space<vmem>> -> memref<400xi32, #tpu.memory_space<vmem>>
      %dma_wait3A_105 = arith.constant 0 : i32
      %dma_wait3A_106 = tpu.memref_slice %arg3[%dma_wait3A_101, %dma_wait3A_105] : memref<2x320000xi32, #tpu.memory_space<hbm>> -> memref<1x400xi32, #tpu.memory_space<hbm>>
      %dma_wait3A_107 = tpu.memref_squeeze %dma_wait3A_106 : memref<1x400xi32, #tpu.memory_space<hbm>> -> memref<400xi32, #tpu.memory_space<hbm>>
      %dma_wait3A_108 = tpu.memref_slice %arg9[%rem3A_87] : memref<2x!tpu.dma_semaphore, #tpu.memory_space<semaphore_mem>> -> memref<1x!tpu.dma_semaphore, #tpu.memory_space<semaphore_mem>>
      %dma_wait3A_109 = tpu.memref_squeeze %dma_wait3A_108 : memref<1x!tpu.dma_semaphore, #tpu.memory_space<semaphore_mem>> -> memref<!tpu.dma_semaphore, #tpu.memory_space<semaphore_mem>>
      %dma_wait3A_110 = arith.constant 0 : i32
      %dma_wait3A_111 = tpu.memref_slice %arg6[%rem3A_87, %dma_wait3A_110] : memref<2x400xi32, #tpu.memory_space<vmem>> -> memref<1x400xi32, #tpu.memory_space<vmem>>
      %dma_wait3A_112 = tpu.memref_squeeze %dma_wait3A_111 : memref<1x400xi32, #tpu.memory_space<vmem>> -> memref<400xi32, #tpu.memory_space<vmem>>
      %dma_wait3A_113 = arith.constant 0 : i32
      %dma_wait3A_114 = tpu.memref_slice %arg3[%dma_wait3A_101, %dma_wait3A_113] : memref<2x320000xi32, #tpu.memory_space<hbm>> -> memref<1x400xi32, #tpu.memory_space<hbm>>
      %dma_wait3A_115 = tpu.memref_squeeze %dma_wait3A_114 : memref<1x400xi32, #tpu.memory_space<hbm>> -> memref<400xi32, #tpu.memory_space<hbm>>
      tpu.wait_dma2 semaphore(%dma_wait3A_109 : memref<!tpu.dma_semaphore, #tpu.memory_space<semaphore_mem>>) src(%dma_wait3A_115 : memref<400xi32, #tpu.memory_space<hbm>>) dst(%dma_wait3A_112 : memref<400xi32, #tpu.memory_space<vmem>>)
      %dma_wait3A_116 = arith.constant 1 : i32
      %dma_wait3A_117 = arith.constant 0 : i32
      %dma_wait3A_118 = tpu.memref_slice %arg7[%rem3A_87, %dma_wait3A_117] : memref<2x400xi32, #tpu.memory_space<vmem>> -> memref<1x400xi32, #tpu.memory_space<vmem>>
      %dma_wait3A_119 = tpu.memref_squeeze %dma_wait3A_118 : memref<1x400xi32, #tpu.memory_space<vmem>> -> memref<400xi32, #tpu.memory_space<vmem>>
      %dma_wait3A_120 = arith.constant 0 : i32
      %dma_wait3A_121 = tpu.memref_slice %arg3[%dma_wait3A_116, %dma_wait3A_120] : memref<2x320000xi32, #tpu.memory_space<hbm>> -> memref<1x400xi32, #tpu.memory_space<hbm>>
      %dma_wait3A_122 = tpu.memref_squeeze %dma_wait3A_121 : memref<1x400xi32, #tpu.memory_space<hbm>> -> memref<400xi32, #tpu.memory_space<hbm>>
      %dma_wait3A_123 = tpu.memref_slice %arg9[%rem3A_87] : memref<2x!tpu.dma_semaphore, #tpu.memory_space<semaphore_mem>> -> memref<1x!tpu.dma_semaphore, #tpu.memory_space<semaphore_mem>>
      %dma_wait3A_124 = tpu.memref_squeeze %dma_wait3A_123 : memref<1x!tpu.dma_semaphore, #tpu.memory_space<semaphore_mem>> -> memref<!tpu.dma_semaphore, #tpu.memory_space<semaphore_mem>>
      %dma_wait3A_125 = arith.constant 0 : i32
      %dma_wait3A_126 = tpu.memref_slice %arg7[%rem3A_87, %dma_wait3A_125] : memref<2x400xi32, #tpu.memory_space<vmem>> -> memref<1x400xi32, #tpu.memory_space<vmem>>
      %dma_wait3A_127 = tpu.memref_squeeze %dma_wait3A_126 : memref<1x400xi32, #tpu.memory_space<vmem>> -> memref<400xi32, #tpu.memory_space<vmem>>
      %dma_wait3A_128 = arith.constant 0 : i32
      %dma_wait3A_129 = tpu.memref_slice %arg3[%dma_wait3A_116, %dma_wait3A_128] : memref<2x320000xi32, #tpu.memory_space<hbm>> -> memref<1x400xi32, #tpu.memory_space<hbm>>
      %dma_wait3A_130 = tpu.memref_squeeze %dma_wait3A_129 : memref<1x400xi32, #tpu.memory_space<hbm>> -> memref<400xi32, #tpu.memory_space<hbm>>
      tpu.wait_dma2 semaphore(%dma_wait3A_124 : memref<!tpu.dma_semaphore, #tpu.memory_space<semaphore_mem>>) src(%dma_wait3A_130 : memref<400xi32, #tpu.memory_space<hbm>>) dst(%dma_wait3A_127 : memref<400xi32, #tpu.memory_space<vmem>>)
      %scan3A_131 = arith.constant 0 : i32
      %scan3A_132 = arith.constant 0 : i32
      %scan3A_133 = arith.constant 25 : i32
      %scan3A_134 = arith.addi %scan3A_132, %scan3A_133 : i32
      %scan3A_135 = arith.constant 1 : i32
      scf.for %scan3A_155 = %scan3A_132 to %scan3A_134 step %scan3A_135  : i32 {
        %mul3A_156 = arith.constant 16 : i32
        %mul3A_157 = arith.muli %scan3A_155, %mul3A_156 : i32
        %get3A = arith.constant 0 : i32
        %get3A_158 = tpu.memref_slice %arg6[%rem3A_87, %get3A] : memref<2x400xi32, #tpu.memory_space<vmem>> -> memref<1x400xi32, #tpu.memory_space<vmem>>
        %get3A_159 = tpu.memref_squeeze %get3A_158 : memref<1x400xi32, #tpu.memory_space<vmem>> -> memref<400xi32, #tpu.memory_space<vmem>>
        %get3A_160 = arith.index_cast %mul3A_157 : i32 to index
        %get3A_161 = tpu.vector_load %get3A_159[%get3A_160] {strides = array<i32>} : memref<400xi32, #tpu.memory_space<vmem>>, vector<16xi32>,
        %get3A_162 = arith.constant 0 : i32
        %get3A_163 = tpu.memref_slice %arg7[%rem3A_87, %get3A_162] : memref<2x400xi32, #tpu.memory_space<vmem>> -> memref<1x400xi32, #tpu.memory_space<vmem>>
        %get3A_164 = tpu.memref_squeeze %get3A_163 : memref<1x400xi32, #tpu.memory_space<vmem>> -> memref<400xi32, #tpu.memory_space<vmem>>
        %get3A_165 = arith.index_cast %mul3A_157 : i32 to index
        %get3A_166 = tpu.vector_load %get3A_164[%get3A_165] {strides = array<i32>} : memref<400xi32, #tpu.memory_space<vmem>>, vector<16xi32>,
        %add3A_167 = arith.constant 0 : i32
        %add3A_168 = vector.broadcast %add3A_167 : i32 to vector<16xi32>
        %add3A_169 = arith.addi %get3A_161, %add3A_168 : vector<16xi32>
        %gather3A = tpu.vector_load_idx %arg5[%add3A_169] : memref<120000xf32, #tpu.memory_space<vmem>>[vector<16xi32>], vector<16xf32>,
        %add3A_170 = arith.constant 60000 : i32
        %add3A_171 = vector.broadcast %add3A_170 : i32 to vector<16xi32>
        %add3A_172 = arith.addi %get3A_166, %add3A_171 : vector<16xi32>
        %gather3A_173 = tpu.vector_load_idx %arg5[%add3A_172] : memref<120000xf32, #tpu.memory_space<vmem>>[vector<16xi32>], vector<16xf32>,
        %add3A_174 = arith.addf %gather3A, %gather3A_173 : vector<16xf32>
        %swap3A = arith.constant 0 : i32
        %swap3A_175 = arith.constant 0 : i32
        %swap3A_176 = arith.constant 0 : i32
        %swap3A_177 = tpu.memref_slice %arg8[%rem3A_87, %swap3A_175, %swap3A_176] : memref<2x6x400xf32, #tpu.memory_space<vmem>> -> memref<1x6x400xf32, #tpu.memory_space<vmem>>
        %swap3A_178 = tpu.memref_squeeze %swap3A_177 : memref<1x6x400xf32, #tpu.memory_space<vmem>> -> memref<6x400xf32, #tpu.memory_space<vmem>>
        %swap3A_179 = arith.index_cast %swap3A : i32 to index
        %swap3A_180 = arith.index_cast %mul3A_157 : i32 to index
        %swap3A_181 = tpu.vector_load %swap3A_178[%swap3A_179, %swap3A_180] {strides = array<i32>} : memref<6x400xf32, #tpu.memory_space<vmem>>, vector<16xf32>,
        tpu.vector_store %swap3A_178[%swap3A_179, %swap3A_180], %add3A_174 {strides = array<i32>} : memref<6x400xf32, #tpu.memory_space<vmem>>, vector<16xf32>,
        %add3A_182 = arith.constant 10000 : i32
        %add3A_183 = vector.broadcast %add3A_182 : i32 to vector<16xi32>
        %add3A_184 = arith.addi %get3A_161, %add3A_183 : vector<16xi32>
        %gather3A_185 = tpu.vector_load_idx %arg5[%add3A_184] : memref<120000xf32, #tpu.memory_space<vmem>>[vector<16xi32>], vector<16xf32>,
        %add3A_186 = arith.constant 70000 : i32
        %add3A_187 = vector.broadcast %add3A_186 : i32 to vector<16xi32>
        %add3A_188 = arith.addi %get3A_166, %add3A_187 : vector<16xi32>
        %gather3A_189 = tpu.vector_load_idx %arg5[%add3A_188] : memref<120000xf32, #tpu.memory_space<vmem>>[vector<16xi32>], vector<16xf32>,
        %add3A_190 = arith.addf %gather3A_185, %gather3A_189 : vector<16xf32>
        %swap3A_191 = arith.constant 1 : i32
        %swap3A_192 = arith.constant 0 : i32
        %swap3A_193 = arith.constant 0 : i32
        %swap3A_194 = tpu.memref_slice %arg8[%rem3A_87, %swap3A_192, %swap3A_193] : memref<2x6x400xf32, #tpu.memory_space<vmem>> -> memref<1x6x400xf32, #tpu.memory_space<vmem>>
        %swap3A_195 = tpu.memref_squeeze %swap3A_194 : memref<1x6x400xf32, #tpu.memory_space<vmem>> -> memref<6x400xf32, #tpu.memory_space<vmem>>
        %swap3A_196 = arith.index_cast %swap3A_191 : i32 to index
        %swap3A_197 = arith.index_cast %mul3A_157 : i32 to index
        %swap3A_198 = tpu.vector_load %swap3A_195[%swap3A_196, %swap3A_197] {strides = array<i32>} : memref<6x400xf32, #tpu.memory_space<vmem>>, vector<16xf32>,
        tpu.vector_store %swap3A_195[%swap3A_196, %swap3A_197], %add3A_190 {strides = array<i32>} : memref<6x400xf32, #tpu.memory_space<vmem>>, vector<16xf32>,
        %add3A_199 = arith.constant 20000 : i32
        %add3A_200 = vector.broadcast %add3A_199 : i32 to vector<16xi32>
        %add3A_201 = arith.addi %get3A_161, %add3A_200 : vector<16xi32>
        %gather3A_202 = tpu.vector_load_idx %arg5[%add3A_201] : memref<120000xf32, #tpu.memory_space<vmem>>[vector<16xi32>], vector<16xf32>,
        %add3A_203 = arith.constant 80000 : i32
        %add3A_204 = vector.broadcast %add3A_203 : i32 to vector<16xi32>
        %add3A_205 = arith.addi %get3A_166, %add3A_204 : vector<16xi32>
        %gather3A_206 = tpu.vector_load_idx %arg5[%add3A_205] : memref<120000xf32, #tpu.memory_space<vmem>>[vector<16xi32>], vector<16xf32>,
        %add3A_207 = arith.addf %gather3A_202, %gather3A_206 : vector<16xf32>
        %swap3A_208 = arith.constant 2 : i32
        %swap3A_209 = arith.constant 0 : i32
        %swap3A_210 = arith.constant 0 : i32
        %swap3A_211 = tpu.memref_slice %arg8[%rem3A_87, %swap3A_209, %swap3A_210] : memref<2x6x400xf32, #tpu.memory_space<vmem>> -> memref<1x6x400xf32, #tpu.memory_space<vmem>>
        %swap3A_212 = tpu.memref_squeeze %swap3A_211 : memref<1x6x400xf32, #tpu.memory_space<vmem>> -> memref<6x400xf32, #tpu.memory_space<vmem>>
        %swap3A_213 = arith.index_cast %swap3A_208 : i32 to index
        %swap3A_214 = arith.index_cast %mul3A_157 : i32 to index
        %swap3A_215 = tpu.vector_load %swap3A_212[%swap3A_213, %swap3A_214] {strides = array<i32>} : memref<6x400xf32, #tpu.memory_space<vmem>>, vector<16xf32>,
        tpu.vector_store %swap3A_212[%swap3A_213, %swap3A_214], %add3A_207 {strides = array<i32>} : memref<6x400xf32, #tpu.memory_space<vmem>>, vector<16xf32>,
        %add3A_216 = arith.constant 30000 : i32
        %add3A_217 = vector.broadcast %add3A_216 : i32 to vector<16xi32>
        %add3A_218 = arith.addi %get3A_161, %add3A_217 : vector<16xi32>
        %gather3A_219 = tpu.vector_load_idx %arg5[%add3A_218] : memref<120000xf32, #tpu.memory_space<vmem>>[vector<16xi32>], vector<16xf32>,
        %add3A_220 = arith.constant 90000 : i32
        %add3A_221 = vector.broadcast %add3A_220 : i32 to vector<16xi32>
        %add3A_222 = arith.addi %get3A_166, %add3A_221 : vector<16xi32>
        %gather3A_223 = tpu.vector_load_idx %arg5[%add3A_222] : memref<120000xf32, #tpu.memory_space<vmem>>[vector<16xi32>], vector<16xf32>,
        %add3A_224 = arith.addf %gather3A_219, %gather3A_223 : vector<16xf32>
        %swap3A_225 = arith.constant 3 : i32
        %swap3A_226 = arith.constant 0 : i32
        %swap3A_227 = arith.constant 0 : i32
        %swap3A_228 = tpu.memref_slice %arg8[%rem3A_87, %swap3A_226, %swap3A_227] : memref<2x6x400xf32, #tpu.memory_space<vmem>> -> memref<1x6x400xf32, #tpu.memory_space<vmem>>
        %swap3A_229 = tpu.memref_squeeze %swap3A_228 : memref<1x6x400xf32, #tpu.memory_space<vmem>> -> memref<6x400xf32, #tpu.memory_space<vmem>>
        %swap3A_230 = arith.index_cast %swap3A_225 : i32 to index
        %swap3A_231 = arith.index_cast %mul3A_157 : i32 to index
        %swap3A_232 = tpu.vector_load %swap3A_229[%swap3A_230, %swap3A_231] {strides = array<i32>} : memref<6x400xf32, #tpu.memory_space<vmem>>, vector<16xf32>,
        tpu.vector_store %swap3A_229[%swap3A_230, %swap3A_231], %add3A_224 {strides = array<i32>} : memref<6x400xf32, #tpu.memory_space<vmem>>, vector<16xf32>,
        %add3A_233 = arith.constant 40000 : i32
        %add3A_234 = vector.broadcast %add3A_233 : i32 to vector<16xi32>
        %add3A_235 = arith.addi %get3A_161, %add3A_234 : vector<16xi32>
        %gather3A_236 = tpu.vector_load_idx %arg5[%add3A_235] : memref<120000xf32, #tpu.memory_space<vmem>>[vector<16xi32>], vector<16xf32>,
        %add3A_237 = arith.constant 100000 : i32
        %add3A_238 = vector.broadcast %add3A_237 : i32 to vector<16xi32>
        %add3A_239 = arith.addi %get3A_166, %add3A_238 : vector<16xi32>
        %gather3A_240 = tpu.vector_load_idx %arg5[%add3A_239] : memref<120000xf32, #tpu.memory_space<vmem>>[vector<16xi32>], vector<16xf32>,
        %add3A_241 = arith.addf %gather3A_236, %gather3A_240 : vector<16xf32>
        %swap3A_242 = arith.constant 4 : i32
        %swap3A_243 = arith.constant 0 : i32
        %swap3A_244 = arith.constant 0 : i32
        %swap3A_245 = tpu.memref_slice %arg8[%rem3A_87, %swap3A_243, %swap3A_244] : memref<2x6x400xf32, #tpu.memory_space<vmem>> -> memref<1x6x400xf32, #tpu.memory_space<vmem>>
        %swap3A_246 = tpu.memref_squeeze %swap3A_245 : memref<1x6x400xf32, #tpu.memory_space<vmem>> -> memref<6x400xf32, #tpu.memory_space<vmem>>
        %swap3A_247 = arith.index_cast %swap3A_242 : i32 to index
        %swap3A_248 = arith.index_cast %mul3A_157 : i32 to index
        %swap3A_249 = tpu.vector_load %swap3A_246[%swap3A_247, %swap3A_248] {strides = array<i32>} : memref<6x400xf32, #tpu.memory_space<vmem>>, vector<16xf32>,
        tpu.vector_store %swap3A_246[%swap3A_247, %swap3A_248], %add3A_241 {strides = array<i32>} : memref<6x400xf32, #tpu.memory_space<vmem>>, vector<16xf32>,
        %add3A_250 = arith.constant 50000 : i32
        %add3A_251 = vector.broadcast %add3A_250 : i32 to vector<16xi32>
        %add3A_252 = arith.addi %get3A_161, %add3A_251 : vector<16xi32>
        %gather3A_253 = tpu.vector_load_idx %arg5[%add3A_252] : memref<120000xf32, #tpu.memory_space<vmem>>[vector<16xi32>], vector<16xf32>,
        %add3A_254 = arith.constant 110000 : i32
        %add3A_255 = vector.broadcast %add3A_254 : i32 to vector<16xi32>
        %add3A_256 = arith.addi %get3A_166, %add3A_255 : vector<16xi32>
        %gather3A_257 = tpu.vector_load_idx %arg5[%add3A_256] : memref<120000xf32, #tpu.memory_space<vmem>>[vector<16xi32>], vector<16xf32>,
        %add3A_258 = arith.addf %gather3A_253, %gather3A_257 : vector<16xf32>
        %swap3A_259 = arith.constant 5 : i32
        %swap3A_260 = arith.constant 0 : i32
        %swap3A_261 = arith.constant 0 : i32
        %swap3A_262 = tpu.memref_slice %arg8[%rem3A_87, %swap3A_260, %swap3A_261] : memref<2x6x400xf32, #tpu.memory_space<vmem>> -> memref<1x6x400xf32, #tpu.memory_space<vmem>>
        %swap3A_263 = tpu.memref_squeeze %swap3A_262 : memref<1x6x400xf32, #tpu.memory_space<vmem>> -> memref<6x400xf32, #tpu.memory_space<vmem>>
        %swap3A_264 = arith.index_cast %swap3A_259 : i32 to index
        %swap3A_265 = arith.index_cast %mul3A_157 : i32 to index
        %swap3A_266 = tpu.vector_load %swap3A_263[%swap3A_264, %swap3A_265] {strides = array<i32>} : memref<6x400xf32, #tpu.memory_space<vmem>>, vector<16xf32>,
        tpu.vector_store %swap3A_263[%swap3A_264, %swap3A_265], %add3A_258 {strides = array<i32>} : memref<6x400xf32, #tpu.memory_space<vmem>>, vector<16xf32>,
      }
      %scan3A_136 = arith.constant 25 : i32
      %ge3A = arith.constant 2 : i32
      %ge3A_137 = arith.cmpi sge, %scan3A_85, %ge3A : i32
      %convert_element_type3A_138 = arith.extui %ge3A_137 : i1 to i32
      %cond3A_139 = arith.constant 0 : i32
      %cond3A_140 = arith.cmpi ne, %convert_element_type3A_138, %cond3A_139 : i32
      scf.if %cond3A_140 {
        %sub3A = arith.constant 2 : i32
        %sub3A_155 = arith.subi %scan3A_85, %sub3A : i32
        %mul3A_156 = arith.constant 25 : i32
        %mul3A_157 = arith.muli %add3A, %mul3A_156 : i32
        %add3A_158 = arith.addi %mul3A_157, %sub3A_155 : i32
        %mul3A_159 = arith.constant 400 : i32
        %mul3A_160 = arith.muli %add3A_158, %mul3A_159 : i32
        %dma_wait3A_161 = arith.constant 0 : i32
        %dma_wait3A_162 = arith.constant 0 : i32
        %dma_wait3A_163 = tpu.memref_slice %arg8[%rem3A_87, %dma_wait3A_161, %dma_wait3A_162] : memref<2x6x400xf32, #tpu.memory_space<vmem>> -> memref<1x6x400xf32, #tpu.memory_space<vmem>>
        %dma_wait3A_164 = tpu.memref_squeeze %dma_wait3A_163 : memref<1x6x400xf32, #tpu.memory_space<vmem>> -> memref<6x400xf32, #tpu.memory_space<vmem>>
        %dma_wait3A_165 = arith.constant 0 : i32
        %dma_wait3A_166 = tpu.memref_slice %arg4[%dma_wait3A_165, %mul3A_160] : memref<6x320000xf32, #tpu.memory_space<hbm>> -> memref<6x400xf32, #tpu.memory_space<hbm>>
        %dma_wait3A_167 = tpu.memref_slice %arg10[%rem3A_87] : memref<2x!tpu.dma_semaphore, #tpu.memory_space<semaphore_mem>> -> memref<1x!tpu.dma_semaphore, #tpu.memory_space<semaphore_mem>>
        %dma_wait3A_168 = tpu.memref_squeeze %dma_wait3A_167 : memref<1x!tpu.dma_semaphore, #tpu.memory_space<semaphore_mem>> -> memref<!tpu.dma_semaphore, #tpu.memory_space<semaphore_mem>>
        %dma_wait3A_169 = arith.constant 0 : i32
        %dma_wait3A_170 = tpu.memref_slice %arg4[%dma_wait3A_169, %mul3A_160] : memref<6x320000xf32, #tpu.memory_space<hbm>> -> memref<6x400xf32, #tpu.memory_space<hbm>>
        %dma_wait3A_171 = arith.constant 0 : i32
        %dma_wait3A_172 = arith.constant 0 : i32
        %dma_wait3A_173 = tpu.memref_slice %arg8[%rem3A_87, %dma_wait3A_171, %dma_wait3A_172] : memref<2x6x400xf32, #tpu.memory_space<vmem>> -> memref<1x6x400xf32, #tpu.memory_space<vmem>>
        %dma_wait3A_174 = tpu.memref_squeeze %dma_wait3A_173 : memref<1x6x400xf32, #tpu.memory_space<vmem>> -> memref<6x400xf32, #tpu.memory_space<vmem>>
        tpu.wait_dma2 semaphore(%dma_wait3A_168 : memref<!tpu.dma_semaphore, #tpu.memory_space<semaphore_mem>>) src(%dma_wait3A_174 : memref<6x400xf32, #tpu.memory_space<vmem>>) dst(%dma_wait3A_170 : memref<6x400xf32, #tpu.memory_space<hbm>>)
      } else {
      }
      %dma_start3A_141 = arith.constant 0 : i32
      %dma_start3A_142 = arith.constant 0 : i32
      %dma_start3A_143 = tpu.memref_slice %arg8[%rem3A_87, %dma_start3A_141, %dma_start3A_142] : memref<2x6x400xf32, #tpu.memory_space<vmem>> -> memref<1x6x400xf32, #tpu.memory_space<vmem>>
      %dma_start3A_144 = tpu.memref_squeeze %dma_start3A_143 : memref<1x6x400xf32, #tpu.memory_space<vmem>> -> memref<6x400xf32, #tpu.memory_space<vmem>>
      %dma_start3A_145 = arith.constant 0 : i32
      %dma_start3A_146 = tpu.memref_slice %arg4[%dma_start3A_145, %mul3A_96] : memref<6x320000xf32, #tpu.memory_space<hbm>> -> memref<6x400xf32, #tpu.memory_space<hbm>>
      %dma_start3A_147 = tpu.memref_slice %arg10[%rem3A_87] : memref<2x!tpu.dma_semaphore, #tpu.memory_space<semaphore_mem>> -> memref<1x!tpu.dma_semaphore, #tpu.memory_space<semaphore_mem>>
      %dma_start3A_148 = tpu.memref_squeeze %dma_start3A_147 : memref<1x!tpu.dma_semaphore, #tpu.memory_space<semaphore_mem>> -> memref<!tpu.dma_semaphore, #tpu.memory_space<semaphore_mem>>
      %dma_start3A_149 = arith.constant 0 : i32
      %dma_start3A_150 = tpu.memref_slice %arg4[%dma_start3A_149, %mul3A_96] : memref<6x320000xf32, #tpu.memory_space<hbm>> -> memref<6x400xf32, #tpu.memory_space<hbm>>
      %dma_start3A_151 = arith.constant 0 : i32
      %dma_start3A_152 = arith.constant 0 : i32
      %dma_start3A_153 = tpu.memref_slice %arg8[%rem3A_87, %dma_start3A_151, %dma_start3A_152] : memref<2x6x400xf32, #tpu.memory_space<vmem>> -> memref<1x6x400xf32, #tpu.memory_space<vmem>>
      %dma_start3A_154 = tpu.memref_squeeze %dma_start3A_153 : memref<1x6x400xf32, #tpu.memory_space<vmem>> -> memref<6x400xf32, #tpu.memory_space<vmem>>
      tpu.enqueue_dma source(%dma_start3A_154 : memref<6x400xf32, #tpu.memory_space<vmem>>) target(%dma_start3A_150 : memref<6x400xf32, #tpu.memory_space<hbm>>) target_semaphore(%dma_start3A_148 : memref<!tpu.dma_semaphore, #tpu.memory_space<semaphore_mem>>)
    }
    %scan3A_40 = arith.constant 25 : i32
    %rem3A = arith.constant 23 : i32
    %rem3A_41 = arith.constant 2 : i32
    %rem3A_42 = arith.remsi %rem3A, %rem3A_41 : i32
    %mul3A_43 = arith.constant 25 : i32
    %mul3A_44 = arith.muli %add3A, %mul3A_43 : i32
    %add3A_45 = arith.constant 23 : i32
    %add3A_46 = arith.addi %mul3A_44, %add3A_45 : i32
    %mul3A_47 = arith.constant 400 : i32
    %mul3A_48 = arith.muli %add3A_46, %mul3A_47 : i32
    %dma_wait3A = arith.constant 0 : i32
    %dma_wait3A_49 = arith.constant 0 : i32
    %dma_wait3A_50 = tpu.memref_slice %arg8[%rem3A_42, %dma_wait3A, %dma_wait3A_49] : memref<2x6x400xf32, #tpu.memory_space<vmem>> -> memref<1x6x400xf32, #tpu.memory_space<vmem>>
    %dma_wait3A_51 = tpu.memref_squeeze %dma_wait3A_50 : memref<1x6x400xf32, #tpu.memory_space<vmem>> -> memref<6x400xf32, #tpu.memory_space<vmem>>
    %dma_wait3A_52 = arith.constant 0 : i32
    %dma_wait3A_53 = tpu.memref_slice %arg4[%dma_wait3A_52, %mul3A_48] : memref<6x320000xf32, #tpu.memory_space<hbm>> -> memref<6x400xf32, #tpu.memory_space<hbm>>
    %dma_wait3A_54 = tpu.memref_slice %arg10[%rem3A_42] : memref<2x!tpu.dma_semaphore, #tpu.memory_space<semaphore_mem>> -> memref<1x!tpu.dma_semaphore, #tpu.memory_space<semaphore_mem>>
    %dma_wait3A_55 = tpu.memref_squeeze %dma_wait3A_54 : memref<1x!tpu.dma_semaphore, #tpu.memory_space<semaphore_mem>> -> memref<!tpu.dma_semaphore, #tpu.memory_space<semaphore_mem>>
    %dma_wait3A_56 = arith.constant 0 : i32
    %dma_wait3A_57 = tpu.memref_slice %arg4[%dma_wait3A_56, %mul3A_48] : memref<6x320000xf32, #tpu.memory_space<hbm>> -> memref<6x400xf32, #tpu.memory_space<hbm>>
    %dma_wait3A_58 = arith.constant 0 : i32
    %dma_wait3A_59 = arith.constant 0 : i32
    %dma_wait3A_60 = tpu.memref_slice %arg8[%rem3A_42, %dma_wait3A_58, %dma_wait3A_59] : memref<2x6x400xf32, #tpu.memory_space<vmem>> -> memref<1x6x400xf32, #tpu.memory_space<vmem>>
    %dma_wait3A_61 = tpu.memref_squeeze %dma_wait3A_60 : memref<1x6x400xf32, #tpu.memory_space<vmem>> -> memref<6x400xf32, #tpu.memory_space<vmem>>
    tpu.wait_dma2 semaphore(%dma_wait3A_55 : memref<!tpu.dma_semaphore, #tpu.memory_space<semaphore_mem>>) src(%dma_wait3A_61 : memref<6x400xf32, #tpu.memory_space<vmem>>) dst(%dma_wait3A_57 : memref<6x400xf32, #tpu.memory_space<hbm>>)
    %rem3A_62 = arith.constant 24 : i32
    %rem3A_63 = arith.constant 2 : i32
    %rem3A_64 = arith.remsi %rem3A_62, %rem3A_63 : i32
    %mul3A_65 = arith.constant 25 : i32
    %mul3A_66 = arith.muli %add3A, %mul3A_65 : i32
    %add3A_67 = arith.constant 24 : i32
    %add3A_68 = arith.addi %mul3A_66, %add3A_67 : i32
    %mul3A_69 = arith.constant 400 : i32
    %mul3A_70 = arith.muli %add3A_68, %mul3A_69 : i32
    %dma_wait3A_71 = arith.constant 0 : i32
    %dma_wait3A_72 = arith.constant 0 : i32
    %dma_wait3A_73 = tpu.memref_slice %arg8[%rem3A_64, %dma_wait3A_71, %dma_wait3A_72] : memref<2x6x400xf32, #tpu.memory_space<vmem>> -> memref<1x6x400xf32, #tpu.memory_space<vmem>>
    %dma_wait3A_74 = tpu.memref_squeeze %dma_wait3A_73 : memref<1x6x400xf32, #tpu.memory_space<vmem>> -> memref<6x400xf32, #tpu.memory_space<vmem>>
    %dma_wait3A_75 = arith.constant 0 : i32
    %dma_wait3A_76 = tpu.memref_slice %arg4[%dma_wait3A_75, %mul3A_70] : memref<6x320000xf32, #tpu.memory_space<hbm>> -> memref<6x400xf32, #tpu.memory_space<hbm>>
    %dma_wait3A_77 = tpu.memref_slice %arg10[%rem3A_64] : memref<2x!tpu.dma_semaphore, #tpu.memory_space<semaphore_mem>> -> memref<1x!tpu.dma_semaphore, #tpu.memory_space<semaphore_mem>>
    %dma_wait3A_78 = tpu.memref_squeeze %dma_wait3A_77 : memref<1x!tpu.dma_semaphore, #tpu.memory_space<semaphore_mem>> -> memref<!tpu.dma_semaphore, #tpu.memory_space<semaphore_mem>>
    %dma_wait3A_79 = arith.constant 0 : i32
    %dma_wait3A_80 = tpu.memref_slice %arg4[%dma_wait3A_79, %mul3A_70] : memref<6x320000xf32, #tpu.memory_space<hbm>> -> memref<6x400xf32, #tpu.memory_space<hbm>>
    %dma_wait3A_81 = arith.constant 0 : i32
    %dma_wait3A_82 = arith.constant 0 : i32
    %dma_wait3A_83 = tpu.memref_slice %arg8[%rem3A_64, %dma_wait3A_81, %dma_wait3A_82] : memref<2x6x400xf32, #tpu.memory_space<vmem>> -> memref<1x6x400xf32, #tpu.memory_space<vmem>>
    %dma_wait3A_84 = tpu.memref_squeeze %dma_wait3A_83 : memref<1x6x400xf32, #tpu.memory_space<vmem>> -> memref<6x400xf32, #tpu.memory_space<vmem>>
    tpu.wait_dma2 semaphore(%dma_wait3A_78 : memref<!tpu.dma_semaphore, #tpu.memory_space<semaphore_mem>>) src(%dma_wait3A_84 : memref<6x400xf32, #tpu.memory_space<vmem>>) dst(%dma_wait3A_80 : memref<6x400xf32, #tpu.memory_space<hbm>>)
    return
  }
}

module attributes {stable_mosaic.version = 14 : i64} {
  func.func @_node_proj_body(%arg0: i32, %arg1: memref<10000x128xf32, #tpu.memory_space<vmem>>, %arg2: memref<128x12xf32, #tpu.memory_space<vmem>>, %arg3: memref<12x10000xf32, #tpu.memory_space<vmem>>) attributes {dimension_semantics = [#tpu.dimension_semantics<arbitrary>], iteration_bounds = array<i64: 1>, scalar_prefetch = 0 : i64, scratch_operands = 0 : i64, tpu.core_type = #tpu.core_type<tc>, window_params = [{pipeline_mode = #tpu.pipeline_mode<synchronous>, transform_indices = @transform_0, window_bounds = array<i64: 10000, 128>}, {pipeline_mode = #tpu.pipeline_mode<synchronous>, transform_indices = @transform_1, window_bounds = array<i64: 128, 12>}, {pipeline_mode = #tpu.pipeline_mode<synchronous>, transform_indices = @transform_2, window_bounds = array<i64: 12, 10000>}]} {
    %get3A = arith.constant 0 : index
    %get3A_0 = arith.constant 0 : index
    %get3A_1 = vector.load %arg2[%get3A, %get3A_0] : memref<128x12xf32, #tpu.memory_space<vmem>>, vector<128x12xf32>
    %get3A_2 = arith.constant 0 : index
    %get3A_3 = arith.constant 0 : index
    %get3A_4 = vector.load %arg1[%get3A_2, %get3A_3] : memref<10000x128xf32, #tpu.memory_space<vmem>>, vector<10000x128xf32>
    %dot_general3A = arith.constant dense<0.000000e+00> : vector<12x10000xf32>
    %dot_general3A_5 = tpu.matmul %get3A_1, %get3A_4, %dot_general3A {dimension_numbers = #tpu.dot_dimension_numbers<[0], [1], [1], [0], [0, 1, 1, 0], [], []>, precision = #tpu.contract_precision<fp32>, transpose_lhs_hint = false} : vector<128x12xf32>, vector<10000x128xf32>, vector<12x10000xf32> -> vector<12x10000xf32>
    %swap3A = arith.constant 0 : index
    %swap3A_6 = arith.constant 0 : index
    %swap3A_7 = vector.load %arg3[%swap3A, %swap3A_6] : memref<12x10000xf32, #tpu.memory_space<vmem>>, vector<12x10000xf32>
    tpu.vector_store %arg3[%swap3A, %swap3A_6], %dot_general3A_5 {strides = array<i32>} : memref<12x10000xf32, #tpu.memory_space<vmem>>, vector<12x10000xf32>,
    return
  }
  func.func @transform_0(%arg0: i32) -> (i32, i32) {
    %c0_i32 = arith.constant 0 : i32
    %c0_i32_0 = arith.constant 0 : i32
    %c0_i32_1 = arith.constant 0 : i32
    return %c0_i32, %c0_i32_0 : i32, i32
  }
  func.func @transform_1(%arg0: i32) -> (i32, i32) {
    %c0_i32 = arith.constant 0 : i32
    %c0_i32_0 = arith.constant 0 : i32
    %c0_i32_1 = arith.constant 0 : i32
    return %c0_i32, %c0_i32_0 : i32, i32
  }
  func.func @transform_2(%arg0: i32) -> (i32, i32) {
    %c0_i32 = arith.constant 0 : i32
    %c0_i32_0 = arith.constant 0 : i32
    %c0_i32_1 = arith.constant 0 : i32
    return %c0_i32, %c0_i32_0 : i32, i32
  }
}

module attributes {stable_mosaic.version = 14 : i64} {
  func.func @_edge_proj_body(%arg0: i32, %arg1: memref<16x32000xf32, #tpu.memory_space<vmem>>, %arg2: memref<6x16xf32, #tpu.memory_space<vmem>>, %arg3: memref<6x1xf32, #tpu.memory_space<vmem>>, %arg4: memref<6x32000xf32, #tpu.memory_space<vmem>>) attributes {dimension_semantics = [#tpu.dimension_semantics<arbitrary>], iteration_bounds = array<i64: 10>, scalar_prefetch = 0 : i64, scratch_operands = 0 : i64, tpu.core_type = #tpu.core_type<tc>, window_params = [{transform_indices = @transform_0, window_bounds = array<i64: 16, 32000>}, {pipeline_mode = #tpu.pipeline_mode<synchronous>, transform_indices = @transform_1, window_bounds = array<i64: 6, 16>}, {pipeline_mode = #tpu.pipeline_mode<synchronous>, transform_indices = @transform_2, window_bounds = array<i64: 6, 1>}, {transform_indices = @transform_3, window_bounds = array<i64: 6, 32000>}]} {
    %get3A = arith.constant 0 : index
    %get3A_0 = arith.constant 0 : index
    %get3A_1 = vector.load %arg2[%get3A, %get3A_0] : memref<6x16xf32, #tpu.memory_space<vmem>>, vector<6x16xf32>
    %get3A_2 = arith.constant 0 : index
    %get3A_3 = arith.constant 0 : index
    %get3A_4 = vector.load %arg1[%get3A_2, %get3A_3] : memref<16x32000xf32, #tpu.memory_space<vmem>>, vector<16x32000xf32>
    %dot_general3A = arith.constant dense<0.000000e+00> : vector<6x32000xf32>
    %dot_general3A_5 = tpu.matmul %get3A_1, %get3A_4, %dot_general3A {dimension_numbers = #tpu.dot_dimension_numbers<[1], [0], [0], [1], [0, 0, 1, 1], [], []>, precision = #tpu.contract_precision<fp32>, transpose_lhs_hint = false} : vector<6x16xf32>, vector<16x32000xf32>, vector<6x32000xf32> -> vector<6x32000xf32>
    %get3A_6 = arith.constant 0 : index
    %get3A_7 = arith.constant 0 : index
    %get3A_8 = vector.load %arg3[%get3A_6, %get3A_7] : memref<6x1xf32, #tpu.memory_space<vmem>>, vector<6x1xf32>
    %add3A = vector.broadcast %get3A_8 : vector<6x1xf32> to vector<6x32000xf32>
    %add3A_9 = arith.addf %dot_general3A_5, %add3A : vector<6x32000xf32>
    %swap3A = arith.constant 0 : index
    %swap3A_10 = arith.constant 0 : index
    %swap3A_11 = vector.load %arg4[%swap3A, %swap3A_10] : memref<6x32000xf32, #tpu.memory_space<vmem>>, vector<6x32000xf32>
    tpu.vector_store %arg4[%swap3A, %swap3A_10], %add3A_9 {strides = array<i32>} : memref<6x32000xf32, #tpu.memory_space<vmem>>, vector<6x32000xf32>,
    return
  }
  func.func @transform_0(%arg0: i32) -> (i32, i32) {
    %c0_i32 = arith.constant 0 : i32
    %c0_i32_0 = arith.constant 0 : i32
    return %c0_i32, %arg0 : i32, i32
  }
  func.func @transform_1(%arg0: i32) -> (i32, i32) {
    %c0_i32 = arith.constant 0 : i32
    %c0_i32_0 = arith.constant 0 : i32
    %c0_i32_1 = arith.constant 0 : i32
    return %c0_i32, %c0_i32_0 : i32, i32
  }
  func.func @transform_2(%arg0: i32) -> (i32, i32) {
    %c0_i32 = arith.constant 0 : i32
    %c0_i32_0 = arith.constant 0 : i32
    %c0_i32_1 = arith.constant 0 : i32
    return %c0_i32, %c0_i32_0 : i32, i32
  }
  func.func @transform_3(%arg0: i32) -> (i32, i32) {
    %c0_i32 = arith.constant 0 : i32
    %c0_i32_0 = arith.constant 0 : i32
    return %c0_i32, %arg0 : i32, i32
  }
}

module attributes {stable_mosaic.version = 14 : i64} {
  func.func @_tail_body(%arg0: i32, %arg1: memref<6x32000xf32, #tpu.memory_space<vmem>>, %arg2: memref<6x32000xf32, #tpu.memory_space<vmem>>, %arg3: memref<12x6xf32, #tpu.memory_space<vmem>>, %arg4: memref<12x1xf32, #tpu.memory_space<vmem>>, %arg5: memref<6x12xf32, #tpu.memory_space<vmem>>, %arg6: memref<6x1xf32, #tpu.memory_space<vmem>>, %arg7: memref<2x6xf32, #tpu.memory_space<vmem>>, %arg8: memref<2x1xf32, #tpu.memory_space<vmem>>, %arg9: memref<2x32000xf32, #tpu.memory_space<vmem>>) attributes {dimension_semantics = [#tpu.dimension_semantics<arbitrary>], iteration_bounds = array<i64: 10>, scalar_prefetch = 0 : i64, scratch_operands = 0 : i64, tpu.core_type = #tpu.core_type<tc>, window_params = [{transform_indices = @transform_0, window_bounds = array<i64: 6, 32000>}, {transform_indices = @transform_1, window_bounds = array<i64: 6, 32000>}, {pipeline_mode = #tpu.pipeline_mode<synchronous>, transform_indices = @transform_2, window_bounds = array<i64: 12, 6>}, {pipeline_mode = #tpu.pipeline_mode<synchronous>, transform_indices = @transform_3, window_bounds = array<i64: 12, 1>}, {pipeline_mode = #tpu.pipeline_mode<synchronous>, transform_indices = @transform_4, window_bounds = array<i64: 6, 12>}, {pipeline_mode = #tpu.pipeline_mode<synchronous>, transform_indices = @transform_5, window_bounds = array<i64: 6, 1>}, {pipeline_mode = #tpu.pipeline_mode<synchronous>, transform_indices = @transform_6, window_bounds = array<i64: 2, 6>}, {pipeline_mode = #tpu.pipeline_mode<synchronous>, transform_indices = @transform_7, window_bounds = array<i64: 2, 1>}, {transform_indices = @transform_8, window_bounds = array<i64: 2, 32000>}]} {
    %get3A = arith.constant 0 : index
    %get3A_0 = arith.constant 0 : index
    %get3A_1 = vector.load %arg1[%get3A, %get3A_0] : memref<6x32000xf32, #tpu.memory_space<vmem>>, vector<6x32000xf32>
    %get3A_2 = arith.constant 0 : index
    %get3A_3 = arith.constant 0 : index
    %get3A_4 = vector.load %arg2[%get3A_2, %get3A_3] : memref<6x32000xf32, #tpu.memory_space<vmem>>, vector<6x32000xf32>
    %add3A = arith.addf %get3A_1, %get3A_4 : vector<6x32000xf32>
    %mul3A = arith.constant 1.000000e-01 : f32
    %mul3A_5 = vector.broadcast %mul3A : f32 to vector<6x32000xf32>
    %mul3A_6 = arith.mulf %add3A, %mul3A_5 : vector<6x32000xf32>
    %max3A = arith.maximumf %add3A, %mul3A_6 : vector<6x32000xf32>
    %get3A_7 = arith.constant 0 : index
    %get3A_8 = arith.constant 0 : index
    %get3A_9 = vector.load %arg3[%get3A_7, %get3A_8] : memref<12x6xf32, #tpu.memory_space<vmem>>, vector<12x6xf32>
    %dot_general3A = arith.constant dense<0.000000e+00> : vector<12x32000xf32>
    %dot_general3A_10 = tpu.matmul %get3A_9, %max3A, %dot_general3A {dimension_numbers = #tpu.dot_dimension_numbers<[1], [0], [0], [1], [0, 0, 1, 1], [], []>, transpose_lhs_hint = false} : vector<12x6xf32>, vector<6x32000xf32>, vector<12x32000xf32> -> vector<12x32000xf32>
    %get3A_11 = arith.constant 0 : index
    %get3A_12 = arith.constant 0 : index
    %get3A_13 = vector.load %arg4[%get3A_11, %get3A_12] : memref<12x1xf32, #tpu.memory_space<vmem>>, vector<12x1xf32>
    %add3A_14 = vector.broadcast %get3A_13 : vector<12x1xf32> to vector<12x32000xf32>
    %add3A_15 = arith.addf %dot_general3A_10, %add3A_14 : vector<12x32000xf32>
    %mul3A_16 = arith.constant 1.000000e-01 : f32
    %mul3A_17 = vector.broadcast %mul3A_16 : f32 to vector<12x32000xf32>
    %mul3A_18 = arith.mulf %add3A_15, %mul3A_17 : vector<12x32000xf32>
    %max3A_19 = arith.maximumf %add3A_15, %mul3A_18 : vector<12x32000xf32>
    %get3A_20 = arith.constant 0 : index
    %get3A_21 = arith.constant 0 : index
    %get3A_22 = vector.load %arg5[%get3A_20, %get3A_21] : memref<6x12xf32, #tpu.memory_space<vmem>>, vector<6x12xf32>
    %dot_general3A_23 = arith.constant dense<0.000000e+00> : vector<6x32000xf32>
    %dot_general3A_24 = tpu.matmul %get3A_22, %max3A_19, %dot_general3A_23 {dimension_numbers = #tpu.dot_dimension_numbers<[1], [0], [0], [1], [0, 0, 1, 1], [], []>, transpose_lhs_hint = false} : vector<6x12xf32>, vector<12x32000xf32>, vector<6x32000xf32> -> vector<6x32000xf32>
    %get3A_25 = arith.constant 0 : index
    %get3A_26 = arith.constant 0 : index
    %get3A_27 = vector.load %arg6[%get3A_25, %get3A_26] : memref<6x1xf32, #tpu.memory_space<vmem>>, vector<6x1xf32>
    %add3A_28 = vector.broadcast %get3A_27 : vector<6x1xf32> to vector<6x32000xf32>
    %add3A_29 = arith.addf %dot_general3A_24, %add3A_28 : vector<6x32000xf32>
    %mul3A_30 = arith.constant 1.000000e-01 : f32
    %mul3A_31 = vector.broadcast %mul3A_30 : f32 to vector<6x32000xf32>
    %mul3A_32 = arith.mulf %add3A_29, %mul3A_31 : vector<6x32000xf32>
    %max3A_33 = arith.maximumf %add3A_29, %mul3A_32 : vector<6x32000xf32>
    %get3A_34 = arith.constant 0 : index
    %get3A_35 = arith.constant 0 : index
    %get3A_36 = vector.load %arg7[%get3A_34, %get3A_35] : memref<2x6xf32, #tpu.memory_space<vmem>>, vector<2x6xf32>
    %dot_general3A_37 = arith.constant dense<0.000000e+00> : vector<2x32000xf32>
    %dot_general3A_38 = tpu.matmul %get3A_36, %max3A_33, %dot_general3A_37 {dimension_numbers = #tpu.dot_dimension_numbers<[1], [0], [0], [1], [0, 0, 1, 1], [], []>, transpose_lhs_hint = false} : vector<2x6xf32>, vector<6x32000xf32>, vector<2x32000xf32> -> vector<2x32000xf32>
    %get3A_39 = arith.constant 0 : index
    %get3A_40 = arith.constant 0 : index
    %get3A_41 = vector.load %arg8[%get3A_39, %get3A_40] : memref<2x1xf32, #tpu.memory_space<vmem>>, vector<2x1xf32>
    %add3A_42 = vector.broadcast %get3A_41 : vector<2x1xf32> to vector<2x32000xf32>
    %add3A_43 = arith.addf %dot_general3A_38, %add3A_42 : vector<2x32000xf32>
    %slice3A = vector.extract_strided_slice %add3A_43 {offsets = [0, 0], sizes = [1, 32000], strides = [1, 1]} : vector<2x32000xf32> to vector<1x32000xf32>
    %slice3A_44 = vector.extract_strided_slice %add3A_43 {offsets = [1, 0], sizes = [1, 32000], strides = [1, 1]} : vector<2x32000xf32> to vector<1x32000xf32>
    %max3A_45 = arith.maximumf %slice3A, %slice3A_44 : vector<1x32000xf32>
    %sub3A = arith.subf %slice3A, %max3A_45 : vector<1x32000xf32>
    %exp3A = math.exp %sub3A : vector<1x32000xf32>
    %sub3A_46 = arith.subf %slice3A_44, %max3A_45 : vector<1x32000xf32>
    %exp3A_47 = math.exp %sub3A_46 : vector<1x32000xf32>
    %add3A_48 = arith.addf %exp3A, %exp3A_47 : vector<1x32000xf32>
    %div3A = arith.constant 1.000000e+00 : f32
    %div3A_49 = vector.broadcast %div3A : f32 to vector<1x32000xf32>
    %div3A_50 = arith.divf %div3A_49, %add3A_48 : vector<1x32000xf32>
    %mul3A_51 = arith.mulf %exp3A, %div3A_50 : vector<1x32000xf32>
    %mul3A_52 = arith.mulf %exp3A_47, %div3A_50 : vector<1x32000xf32>
    %concatenate3A = tpu.concatenate %mul3A_51, %mul3A_52 in 0 : vector<1x32000xf32>, vector<1x32000xf32> -> vector<2x32000xf32>
    %swap3A = arith.constant 0 : index
    %swap3A_53 = arith.constant 0 : index
    %swap3A_54 = vector.load %arg9[%swap3A, %swap3A_53] : memref<2x32000xf32, #tpu.memory_space<vmem>>, vector<2x32000xf32>
    tpu.vector_store %arg9[%swap3A, %swap3A_53], %concatenate3A {strides = array<i32>} : memref<2x32000xf32, #tpu.memory_space<vmem>>, vector<2x32000xf32>,
    return
  }
  func.func @transform_0(%arg0: i32) -> (i32, i32) {
    %c0_i32 = arith.constant 0 : i32
    %c0_i32_0 = arith.constant 0 : i32
    return %c0_i32, %arg0 : i32, i32
  }
  func.func @transform_1(%arg0: i32) -> (i32, i32) {
    %c0_i32 = arith.constant 0 : i32
    %c0_i32_0 = arith.constant 0 : i32
    return %c0_i32, %arg0 : i32, i32
  }
  func.func @transform_2(%arg0: i32) -> (i32, i32) {
    %c0_i32 = arith.constant 0 : i32
    %c0_i32_0 = arith.constant 0 : i32
    %c0_i32_1 = arith.constant 0 : i32
    return %c0_i32, %c0_i32_0 : i32, i32
  }
  func.func @transform_3(%arg0: i32) -> (i32, i32) {
    %c0_i32 = arith.constant 0 : i32
    %c0_i32_0 = arith.constant 0 : i32
    %c0_i32_1 = arith.constant 0 : i32
    return %c0_i32, %c0_i32_0 : i32, i32
  }
  func.func @transform_4(%arg0: i32) -> (i32, i32) {
    %c0_i32 = arith.constant 0 : i32
    %c0_i32_0 = arith.constant 0 : i32
    %c0_i32_1 = arith.constant 0 : i32
    return %c0_i32, %c0_i32_0 : i32, i32
  }
  func.func @transform_5(%arg0: i32) -> (i32, i32) {
    %c0_i32 = arith.constant 0 : i32
    %c0_i32_0 = arith.constant 0 : i32
    %c0_i32_1 = arith.constant 0 : i32
    return %c0_i32, %c0_i32_0 : i32, i32
  }
  func.func @transform_6(%arg0: i32) -> (i32, i32) {
    %c0_i32 = arith.constant 0 : i32
    %c0_i32_0 = arith.constant 0 : i32
    %c0_i32_1 = arith.constant 0 : i32
    return %c0_i32, %c0_i32_0 : i32, i32
  }
  func.func @transform_7(%arg0: i32) -> (i32, i32) {
    %c0_i32 = arith.constant 0 : i32
    %c0_i32_0 = arith.constant 0 : i32
    %c0_i32_1 = arith.constant 0 : i32
    return %c0_i32, %c0_i32_0 : i32, i32
  }
  func.func @transform_8(%arg0: i32) -> (i32, i32) {
    %c0_i32 = arith.constant 0 : i32
    %c0_i32_0 = arith.constant 0 : i32
    return %c0_i32, %arg0 : i32, i32
  }
}

</mosaic_0001>

<sc_bundles>
// kernel: kernel.6.cloned.1.call-start
scs
__scs_entry_jumppad:
0x0: {  	(pc) =	sbr.rel $0x88, $3  }
0x1: {  	(tag) =	ssettag $0x0;
	lr =	simm.s32 $0x1  }
0x2: {  	[smem:$0x3F96] =	sst lr;
	_ =	strace $0xD0000000  }
0x3: {  	_ = 	snop  }
0x4: {  	_ = 	snop  }
0x5: {  	_ = 	snop  }
0x6: {  	_ = 	snop  }
0x7: {  	_ = 	snop  }
__scs_overlays_trampoline_lowered:
0x8: {  	[smem:$0x3FA5] =	sst s0  }
0x9: {  	[smem:$0x3FA6] =	sst s1  }
0xa: {  	[smem:$0x3FA7] =	sst s2  }
0xb: {  	[smem:$0x3FA8] =	sst s3  }
0xc: {  	[smem:$0x3FA9] =	sst s4  }
0xd: {  	[smem:$0x3FAA] =	sst s5  }
0xe: {  	[smem:$0x3FAB] =	sst s6  }
0xf: {  	[smem:$0x3FAC] =	sst s7  }
0x10: {  	[smem:$0x3FAD] =	sst s8  }
0x11: {  	[smem:$0x3FAE] =	sst s9;
	s0 =	simm.s32 @!p0 $0x0  }
0x12: {  	s1 =	sld [smem:$0x3F94];
	s0 =	simm.s32 @p0 $0x1  }
0x13: {  	[smem:$0x3FAF] =	sst s0;
	s0 =	simm.s32 @!p1 $0x0  }
0x14: {  	s2 =	sld [smem:$0x3F93];
	s0 =	simm.s32 @p1 $0x1  }
0x15: {  	[smem:$0x3FB0] =	sst s0;
	s0 =	simm.s32 @!p2 $0x0  }
0x16: {  	s3 =	sld [smem:$0x3FDB];
	s0 =	simm.s32 @p2 $0x1  }
0x17: {  	s4 =	simm.s32 $0x1BF5;
	[smem:$0x3FB2] =	sst s0  }
0x18: {  	s0 =	sld [smem:$0x3F95];
	_ =	swait.ge [sflag:s4], $0x0  }
0x19: {  	s7 =	sld [smem:$0x3F96]  }
0x1a: {  	s8 =	sadd.s32 $0xFFFFE003, lr  }
0x1b: {  	s9 =	sadd.s32 $0xFFFFFEF7, lr;
	s5 =	simm.s32 $0xFFFFFFFF;
	p2 =	slt.u32 s8, $0xFFFFF086  }
0x1c: {  	p1 =	slt.u32 s9, $0xF7A;
	s5 =	simm.s32 @!p2 $0x0  }
0x1d: {  	s5 =	simm.s32 @p1 $0x1;
	p0 =	seq.s32 s7, s2  }
0x1e: {  	s7 =	smul.u32 @!p0 $0xF7A, s2;
	p2 =	seq.s32 @!p0 s5, $0x0  }
0x1f: {  	s9 =	smul.u32 $0xF7A, s1;
	s8 =	simm.s32 @!p0 $0x1BF5;
	p2 =	por !p2, p0  }
0x20: {  	[sflag:s8] =	ssyncset.s32 @!p0 $0xFFFFF086;
	s6 =	sadd.s32 @!p0 s3, s7;
	s7 =	simm.s32 @!p0 $0x108  }
0x21: {  	s3 =	sadd.s32 s3, s9;
	s6 =	sadd.s32 @!p0 $0x88, s6;
	s7 =	simm.s32 @p2 $0x1082  }
0x22: {  	[simem:s7], [sflag:s8] =	dma.local @!p0 [hbm:s6], $0xF7A  }
0x23: {  	s9 =	sor.u32 $0xD0000000, s2;
	s6 =	simm.s32 $0x108;
	_ =	swait.ge @!p0 [sflag:s8], $0x0  }
0x24: {  	s3 =	sadd.s32 $0x88, s3;
	s6 =	simm.s32 @!p1 $0x1082;
	[sflag:s4] =	ssyncset.s32 $0xFFFFF086  }
0x25: {  	[simem:s6], [sflag:s4] =	dma.local [hbm:s3], $0xF7A  }
0x26: {  	[smem:$0x3F96] =	sst s1;
	(tag) =	ssettag s2;
	_ =	strace s9  }
0x27: {  	s1 =	sld [smem:$0x3FA6]  }
0x28: {  	s2 =	sld [smem:$0x3FA7]  }
0x29: {  	s4 =	sld [smem:$0x3FA9]  }
0x2a: {  	p0 =	seq.s32 s5, $0x0;
	s5 =	sld [smem:$0x3FAA]  }
0x2b: {  	s6 =	sld [smem:$0x3FAB]  }
0x2c: {  	s7 =	sld [smem:$0x3FAC]  }
0x2d: {  	s3 =	simm.s32 $0x108;
	s8 =	sld [smem:$0x3FAD]  }
0x2e: {  	s3 =	simm.s32 @!p0 $0x1082;
	s9 =	sld [smem:$0x3FAE]  }
0x2f: {  	lr =	sadd.s32 s0, s3;
	s0 =	sld [smem:$0x3FA5]  }
0x30: {  	s3 =	sld [smem:$0x3FA8]  }
0x31: {  	[smem:$0x3FB1] =	sst s10  }
0x32: {  	s10 =	sld [smem:$0x3FAF];
	_ =	sdelay $0x3  }
0x33: {  	p0 =	seq.s32 s10, $0x1;
	s10 =	sld [smem:$0x3FB1];
	_ =	sdelay $0x3  }
0x34: {  	[smem:$0x3FB1] =	sst s10  }
0x35: {  	s10 =	sld [smem:$0x3FB0];
	_ =	sdelay $0x3  }
0x36: {  	p1 =	seq.s32 s10, $0x1;
	s10 =	sld [smem:$0x3FB1];
	_ =	sdelay $0x3  }
0x37: {  	[smem:$0x3FB1] =	sst s10  }
0x38: {  	s10 =	sld [smem:$0x3FB2]  }
0x39: {  	_ = 	snop;
	(pc) =	sbr.ind lr, $3  }
0x3a: {  	_ = 	snop  }
0x3b: {  	_ = 	snop  }
0x3c: {  	p2 =	seq.s32 s10, $0x1;
	s10 =	sld [smem:$0x3FB1]  }
0x3d: {  	_ =	shalt  }
0x3e: {  	_ =	shalt  }
0x3f: {  	_ =	shalt  }
0x40: {  	_ =	shalt  }
0x41: {  	_ =	shalt  }
0x42: {  	_ =	shalt  }
0x43: {  	_ =	shalt  }
0x44: {  	_ =	shalt  }
0x45: {  	_ =	shalt  }
0x46: {  	_ =	shalt  }
0x47: {  	_ =	shalt  }
0x48: {  	_ =	shalt  }
0x49: {  	_ =	shalt  }
0x4a: {  	_ =	shalt  }
0x4b: {  	_ =	shalt  }
0x4c: {  	_ =	shalt  }
0x4d: {  	_ =	shalt  }
0x4e: {  	_ =	shalt  }
0x4f: {  	_ =	shalt  }
0x50: {  	_ =	shalt  }
0x51: {  	_ =	shalt  }
0x52: {  	_ =	shalt  }
0x53: {  	_ =	shalt  }
0x54: {  	_ =	shalt  }
0x55: {  	_ =	shalt  }
0x56: {  	_ =	shalt  }
0x57: {  	_ =	shalt  }
0x58: {  	_ =	shalt  }
0x59: {  	_ =	shalt  }
0x5a: {  	_ =	shalt  }
0x5b: {  	_ =	shalt  }
0x5c: {  	_ =	shalt  }
0x5d: {  	_ =	shalt  }
0x5e: {  	_ =	shalt  }
0x5f: {  	_ =	shalt  }
0x60: {  	_ =	shalt  }
0x61: {  	_ =	shalt  }
0x62: {  	_ =	shalt  }
0x63: {  	_ =	shalt  }
0x64: {  	_ =	shalt  }
0x65: {  	_ =	shalt  }
0x66: {  	_ =	shalt  }
0x67: {  	_ =	shalt  }
0x68: {  	_ =	shalt  }
0x69: {  	_ =	shalt  }
0x6a: {  	_ =	shalt  }
0x6b: {  	_ =	shalt  }
0x6c: {  	_ =	shalt  }
0x6d: {  	_ =	shalt  }
0x6e: {  	_ =	shalt  }
0x6f: {  	_ =	shalt  }
0x70: {  	_ =	shalt  }
0x71: {  	_ =	shalt  }
0x72: {  	_ =	shalt  }
0x73: {  	_ =	shalt  }
0x74: {  	_ =	shalt  }
0x75: {  	_ =	shalt  }
0x76: {  	_ =	shalt  }
0x77: {  	_ =	shalt  }
0x78: {  	_ =	shalt  }
0x79: {  	_ =	shalt  }
0x7a: {  	_ =	shalt  }
0x7b: {  	_ =	shalt  }
0x7c: {  	_ =	shalt  }
0x7d: {  	_ =	shalt  }
0x7e: {  	_ =	shalt  }
0x7f: {  	_ =	shalt  }
0x80: {  	_ =	shalt  }
0x81: {  	_ =	shalt  }
0x82: {  	_ =	shalt  }
0x83: {  	_ =	shalt  }
0x84: {  	_ =	shalt  }
0x85: {  	_ =	shalt  }
0x86: {  	_ =	shalt  }
0x87: {  	_ =	shalt  }
.Lfunc_end0:
.L_simem_size_0:
called_computation_lowered:
.L_overlay_start_0:
0x88: {  	s2 =	sld [smem:$0x3FD9]  }
0x89: {  	s3 =	sld [smem:$0x3FFE];
	_ =	sdelay $0x1  }
0x8a: {  	s1 =	srdreg.scid  }
0x8b: {  	s0 =	sand.u32 $0x1, s1  }
0x8c: {  	s17 =	sshll.u32 s0, $0xA;
	s2 =	sadd.s32 s3, s2  }
0x8d: {  	s2 =	sadd.s32 s2, s17  }
0x8e: {  	[smem:$0x3FBD] =	sst s2  }
0x8f: {  	_ = 	snop  }
0x90: {  	s2 =	sld [smem:$0x3FD0];
	(tm) =	ssettm $0x1  }
0x91: {  	s18 =	sld [smem:$0x3FFB];
	_ =	sdelay $0x3  }
0x92: {  	_ =	strace s18  }
0x93: {  	s3 =	sld [smem:$0x3FFC];
	_ =	sdelay $0x3  }
0x94: {  	_ =	strace s3  }
0x95: {  	s3 =	sld [smem:$0x3FFD];
	_ =	sdelay $0x3  }
0x96: {  	_ =	strace s3  }
0x97: {  	_ =	strace $0x8FFFFFFF  }
0x98: {  	s19 =	sld [smem:$0x3FDB];
	_ =	sdelay $0x1  }
0x99: {  	s4 =	simm.s32 $_scs_section_size  }
0x9a: {  	s5 =	simm.s32 $_size__tile_overlayer_lowered;
	s6 =	simm.s32 $_tile_overlayer_lowered  }
0x9b: {  	s22 =	simm.s32 $0x1BFF;
	s21 =	sshll.u32 s6, $0x1;
	s3 =	sadd.s32 s4, s19  }
0x9c: {  	s7 =	simm.s32 $0x0;
	s20 =	sshll.u32 s5, $0x1;
	s5 =	sadd.s32 s21, s3  }
0x9d: {  	[timem:s7], [sflag:s22] =	dma.local [hbm:s5], s20  }
0x9e: {  	_ =	swait.ge [sflag:s22], s20  }
0x9f: {  	s4 =	ssub.s32 $0x0, s20;
	[sflag:s22] =	ssyncset.done $0x0  }
0xa0: {  	[sflag:s22] =	ssyncadd.s32 s4;
	_ =	sdelay $0x1  }
0xa1: {  	s23 =	simm.s32 $0x1B8B  }
0xa2: {  	_ =	swait.ge [sflag:s23], $0x1  }
0xa3: {  	[sflag:s23] =	ssyncset.done $0x0  }
0xa4: {  	s25 =	simm.s32 $0x1B8E;
	s24 =	sld [smem:$0x3FFE];
	[sflag:s23] =	ssyncadd.s32 $0xFFFFFFFF  }
0xa5: {  	s26 =	simm.s32 $execute0_lowered;
	[smem:$0x3FD2] =	sst s25  }
0xa6: {  	s5 =	sshll.u32 s26, $0x1;
	_ =	strace $0x80000046;
	[dreg:$0x1] =	wrdreg $0xFFFFFFFF  }
0xa7: {  	s28 =	simm.s32 $_size_execute0_lowered;
	s3 =	sadd.s32 s3, s5;
	[dreg:$0x0] =	wrdreg $0x0  }
0xa8: {  	s5 =	sshll.u32 s28, $0x1;
	[dreg:$0x2] =	wrdreg s3  }
0xa9: {  	[dreg:$0x3] =	wrdreg s5  }
0xaa: {  	[dreg:$0x4] =	wrdreg $0xC0  }
0xab: {  	_ =	task [dreg:s7], $0x5FFFF  }
0xac: {  	[dreg:$0x1] =	wrdreg $0xFFFFFFFF  }
0xad: {  	[dreg:$0x0] =	wrdreg $0x60  }
0xae: {  	[dreg:$0x2] =	wrdreg s24  }
0xaf: {  	[dreg:$0x3] =	wrdreg s2  }
0xb0: {  	[dreg:$0x4] =	wrdreg $0x9  }
0xb1: {  	_ =	task.clear_ibuf [dreg:s7], $0x5FFFF;
	_ =	strace $0x90000046  }
0xb2: {  	s29 =	simm.s32 $0x9;
	_ =	strace $0x80000048  }
0xb3: {  	_ =	swait.ge [sflag:s29], $0x1  }
0xb4: {  	[sflag:s29] =	ssyncadd.s32 $0xFFFFFFFF  }
0xb5: {  	_ =	strace $0x90000048  }
0xb6: {  	_ =	sfence  }
0xb7: {  	s30 =	sld [smem:$0x0];
	_ =	sdelay $0x2  }
0xb8: {  	s31 =	sshll.u32 s1, $0xD;
	s1 =	sshrl.u32 s1, $0x2  }
0xb9: {  	s3 =	sand.u32 $0x4000, s31;
	s1 =	sadd.s32 s1, s30  }
0xba: {  	s0 =	sor.u32 s3, s0;
	s1 =	sshll.u32 s1, $0x11  }
0xbb: {  	s0 =	sor.u32 s1, s0  }
0xbc: {  	s0 =	sadd.s32 $0x8F2B, s0  }
0xbd: {  	[sflag:s0] =	ssyncadd.remote.s32 $0x1  }
0xbe: {  	_ =	sfence.sel $0xFFFF  }
0xbf: {  	[dreg:$0x0] =	wrdreg $0xFFFFFFFF;
	(pc) =	sbr.abs _section_cstart, $3  }
0xc0: {  	[dreg:$0x1] =	wrdreg $0xFFFFFFFF  }
0xc1: {  	_ =	task.clear_ibuf [dreg:s7], $0x2FFFF;
	_ =	strace $0x9FFFFFFF  }
0xc2: {  	(tm) =	ssettm $0x7FFFFFFF  }
0xc3: {  	_ =	shalt  }
tec
execute0_lowered:
.L_overlay_start_1:
0x0: {  	(tag) =	ssettag $0x1  }
0x1: {  	s5 =	rddreg [dreg:$0x0]  }
0x2: {  	s1 =	srdreg.scid;
	s0 =	stileid.u32  }
0x3: {  	s2 =	rddreg [dreg:$0x1];
	s3 =	simm.s32 $0x0;
	s10 =	simm.s32 $0x5  }
0x4: {  	s11 =	simm.s32 $0x1D4C0;
	s12 =	simm.s32 $0x1D7E0;
	s13 =	simm.s32 $0x190  }
0x5: {  	s14 =	simm.s32 $0x4E200;
	s6 =	sand.u32 $0x1, s1;
	s4 =	sshll.u32 s0, $0x1  }
0x6: {  	s15 =	simm.s32 $0x4;
	s16 =	simm.s32 $0x3;
	s8 =	sor.u32 s6, s4  }
0x7: {  	s17 =	simm.s32 $0x0;
	[smem:$0x7FF] =	sst s3;
	s7 =	smul.u32 $0x2710, s8  }
0x8: {  	s1 =	rddreg [dreg:$0x2];
	_ =	strace $0x80000047;
	s9 =	ssub.s32 $0x2, s6  }
0x9: {  	s4 =	sadd.s32 $0x1600, s5;
	s31 =	sshrl.u32 s9, $0x1;
	s30 =	sshrl.u32 s7, $0x3  }
0xa: {  	s5 =	sadd.s32 $0x5200, s5;
	s9 =	ssub.s32 s9, s31;
	s6 =	sadd.s32 s2, s30  }
0xb: {  	s8 =	smul.u32 $0x19, s8;
	s9 =	smax.u32 s9, $0x1;
	s7 =	sadd.s32 $0x9C40, s6  }
.LBB2_1:
0xc: {  	[tilespmem:s3], [sflag:$0x5] =	stream.linear.gather [hbm4b:s4+s3], $0x1D4C0, $0x38;
	[tilespmem:$0x1EDC0] =	vst v63  }
0xd: {  	_ =	swait.ge [sflag:s10], $0x1D4C0  }
0xe: {  	[sflag:s10] =	ssyncset.done $0x0  }
0xf: {  	[sflag:s10] =	ssyncadd.s32 $0xFFFE2B40  }
0x10: {  	[tilespmem:s11], [sflag:$0x1] =	stream.linear.gather [hbm4b:s6+s3], $0x190, $0x38;
	[tilespmem:$0x1EDC0] =	vst v63  }
0x11: {  	p0 =	por $0x0, $0x0;
	s19 =	simm.s32 $0x0  }
0x12: {  	[tilespmem:s12], [sflag:$0x1] =	stream.linear.gather [hbm4b:s7+s3], $0x190, $0x38;
	[tilespmem:$0x1EDC0] =	vst v63  }
.LBB2_2:
0x13: {  	s18 =	sadd.s32 $0x1, s19;
	p1 =	seq.s32 s19, $0x18  }
0x14: {  	s20 =	sadd.s32 @!p1 s8, s18  }
0x15: {  	s22 =	simm.s32 $0x1;
	s21 =	sand.u32 @!p1 $0x1, s18;
	s20 =	smul.u32 @!p1 $0x190, s20  }
0x16: {  	s22 =	simm.s32 @!p0 $0x0;
	s23 =	smul.u32 @!p1 $0x190, s21  }
0x17: {  	s28 =	simm.s32 @!p1 $0x0;
	s24 =	smul.u32 $0x640, s22  }
0x18: {  	s21 =	sadd.s32 @!p1 $0x1, s21;
	s20 =	sshrl.u32 @!p1 s20, $0x3;
	s25 =	sadd.s32 @!p1 $0x1D4C0, s23  }
0x19: {  	s23 =	sadd.s32 @!p1 $0x1D7E0, s23;
	s26 =	sadd.s32 @!p1 s2, s20;
	s20 =	sand.u32 $0x1, s19  }
0x1a: {  	[tilespmem:s25], [sflag:s21] =	stream.linear.gather @!p1 [hbm4b:s26+s28], $0x190, $0x38;
	[tilespmem:$0x1EDC0] =	vst v63  }
0x1b: {  	s29 =	sshrl.u32 s24, $0x2;
	s25 =	sadd.s32 @!p1 $0x9C40, s26;
	s30 =	sadd.s32 $0x1, s20  }
0x1c: {  	[tilespmem:s23], [sflag:s21] =	stream.linear.gather @!p1 [hbm4b:s25+s28], $0x190, $0x38;
	[tilespmem:$0x1EDC0] =	vst v63  }
0x1d: {  	s24 =	sadd.s32 $0x1D7E0, s29;
	_ =	swait.ge [sflag:s30], $0x190  }
0x1e: {  	v0 =	vmov s24;
	s21 =	sadd.s32 $0x1D4C0, s29;
	[sflag:s30] =	ssyncset.done $0x0  }
0x1f: {  	v1 =	vmov s21;
	[sflag:s30] =	ssyncadd.s32 $0xFFFFFE70  }
0x20: {  	_ =	swait.ge [sflag:s30], $0x190  }
0x21: {  	[sflag:s30] =	ssyncset.done $0x0  }
0x22: {  	s21 =	simm.s32 $0x0;
	[sflag:s30] =	ssyncadd.s32 $0xFFFFFE70  }
0x23: {  	v3 =	vld.idx.msk [tilespmem:v0+s21+$0x0 ss:$0x1], $0xffff  }
0x24: {  	v4 =	vld.idx.msk [tilespmem:v1+s21+$0x0 ss:$0x1], $0xffff;
	_ =	sdelay $0x3  }
0x25: {  	v2 =	vadd.s32 $0xEA60, v3;
	_ =	sdelay $0x2  }
0x26: {  	s22 =	smul.u32 $0x2580, s22  }
0x27: {  	v5 =	vld.idx.msk [tilespmem:v4+s3+$0x0], $0xffff  }
0x28: {  	s22 =	sshrl.u32 s22, $0x2;
	v6 =	vld.idx.msk [tilespmem:v2+s3+$0x0], $0xffff  }
0x29: {  	s22 =	sadd.s32 $0x1DFB0, s22  }
0x2a: {  	v2 =	vmov s22  }
0x2b: {  	v7 =	vadd.s32 $0x2710, v4  }
0x2c: {  	v8 =	vadd.s32 $0x11170, v3  }
0x2d: {  	v5 =	vadd.f32 v6, v5;
	_ =	sdelay $0x1  }
0x2e: {  	[tilespmem:v2+s21+$0xFFFFFB50 ss:$0x1] =	vst.idx.msk $0xffff, v5  }
0x2f: {  	v5 =	vld.idx.msk [tilespmem:v7+s3+$0x0], $0xffff  }
0x30: {  	v6 =	vld.idx.msk [tilespmem:v8+s3+$0x0], $0xffff;
	_ =	sdelay $0x2  }
0x31: {  	v7 =	vadd.s32 $0x4E20, v4  }
0x32: {  	v61 =	vadd.s32 $0x13880, v3  }
0x33: {  	v5 =	vadd.f32 v6, v5;
	_ =	sdelay $0x1  }
0x34: {  	[tilespmem:v2+s21+$0xFFFFFCE0 ss:$0x1] =	vst.idx.msk $0xffff, v5  }
0x35: {  	v5 =	vld.idx.msk [tilespmem:v7+s3+$0x0], $0xffff  }
0x36: {  	v6 =	vld.idx.msk [tilespmem:v61+s3+$0x0], $0xffff;
	_ =	sdelay $0x2  }
0x37: {  	v7 =	vadd.s32 $0x7530, v4  }
0x38: {  	v62 =	vadd.s32 $0x15F90, v3  }
0x39: {  	v5 =	vadd.f32 v6, v5;
	_ =	sdelay $0x1  }
0x3a: {  	[tilespmem:v2+s21+$0xFFFFFE70 ss:$0x1] =	vst.idx.msk $0xffff, v5  }
0x3b: {  	v5 =	vld.idx.msk [tilespmem:v7+s3+$0x0], $0xffff  }
0x3c: {  	v6 =	vld.idx.msk [tilespmem:v62+s3+$0x0], $0xffff;
	_ =	sdelay $0x2  }
0x3d: {  	v7 =	vadd.s32 $0x9C40, v4  }
0x3e: {  	v63 =	vadd.s32 $0x186A0, v3  }
0x3f: {  	v5 =	vadd.f32 v6, v5;
	_ =	sdelay $0x1  }
0x40: {  	[tilespmem:v2+s21+$0x0 ss:$0x1] =	vst.idx.msk $0xffff, v5  }
0x41: {  	v5 =	vld.idx.msk [tilespmem:v7+s3+$0x0], $0xffff  }
0x42: {  	v6 =	vld.idx.msk [tilespmem:v63+s3+$0x0], $0xffff;
	_ =	sdelay $0x2  }
0x43: {  	v4 =	vadd.s32 $0xC350, v4  }
0x44: {  	v7 =	vadd.s32 $0x1ADB0, v3  }
0x45: {  	v3 =	vadd.f32 v6, v5  }
0x46: {  	s31 =	smul.u32 $0x2580, s20  }
0x47: {  	[tilespmem:v2+s21+$0x190 ss:$0x1] =	vst.idx.msk $0xffff, v3  }
0x48: {  	s22 =	sshrl.u32 s31, $0x2;
	v3 =	vld.idx.msk [tilespmem:v4+s3+$0x0], $0xffff  }
0x49: {  	s24 =	simm.s32 $0x40;
	s23 =	sadd.s32 s8, s19;
	s22 =	sadd.s32 $0x1DB00, s22;
	v4 =	vld.idx.msk [tilespmem:v7+s3+$0x0], $0xffff  }
.LBB2_3:
0x4a: {  	p1 =	sne.s32 s24, $0x600;
	s25 =	smov.u32 s24;
	s24 =	sadd.s32 $0x40, s24  }
0x4b: {  	_ =	sdelay $0x2  }
0x4c: {  	v3 =	vadd.f32 v4, v3  }
0x4d: {  	s25 =	sshra.s32 s25, $0x2  }
0x4e: {  	[tilespmem:v2+s21+$0x320 ss:$0x1] =	vst.idx.msk $0xffff, v3;
	s21 =	smov.u32 s25  }
0x4f: {  	v3 =	vld.idx.msk [tilespmem:v0+s21+$0x0 ss:$0x1], $0xffff;
	_ =	sdelay $0x1  }
0x50: {  	v4 =	vld.idx.msk [tilespmem:v1+s21+$0x0 ss:$0x1], $0xffff;
	_ =	sdelay $0x3  }
0x51: {  	v5 =	vadd.s32 $0xEA60, v3;
	_ =	sdelay $0x3  }
0x52: {  	v6 =	vld.idx.msk [tilespmem:v4+s3+$0x0], $0xffff  }
0x53: {  	v5 =	vld.idx.msk [tilespmem:v5+s3+$0x0], $0xffff;
	_ =	sdelay $0x3  }
0x54: {  	v7 =	vadd.s32 $0x2710, v4  }
0x55: {  	v8 =	vadd.s32 $0x11170, v3  }
0x56: {  	v5 =	vadd.f32 v5, v6;
	_ =	sdelay $0x1  }
0x57: {  	[tilespmem:v2+s21+$0xFFFFFB50 ss:$0x1] =	vst.idx.msk $0xffff, v5  }
0x58: {  	v5 =	vld.idx.msk [tilespmem:v7+s3+$0x0], $0xffff  }
0x59: {  	v6 =	vld.idx.msk [tilespmem:v8+s3+$0x0], $0xffff;
	_ =	sdelay $0x3  }
0x5a: {  	v7 =	vadd.s32 $0x4E20, v4  }
0x5b: {  	v8 =	vadd.s32 $0x13880, v3  }
0x5c: {  	v5 =	vadd.f32 v6, v5;
	_ =	sdelay $0x1  }
0x5d: {  	[tilespmem:v2+s21+$0xFFFFFCE0 ss:$0x1] =	vst.idx.msk $0xffff, v5  }
0x5e: {  	v5 =	vld.idx.msk [tilespmem:v7+s3+$0x0], $0xffff  }
0x5f: {  	v6 =	vld.idx.msk [tilespmem:v8+s3+$0x0], $0xffff;
	_ =	sdelay $0x3  }
0x60: {  	v7 =	vadd.s32 $0x7530, v4  }
0x61: {  	v8 =	vadd.s32 $0x15F90, v3  }
0x62: {  	v5 =	vadd.f32 v6, v5;
	_ =	sdelay $0x1  }
0x63: {  	[tilespmem:v2+s21+$0xFFFFFE70 ss:$0x1] =	vst.idx.msk $0xffff, v5  }
0x64: {  	v5 =	vld.idx.msk [tilespmem:v7+s3+$0x0], $0xffff  }
0x65: {  	v6 =	vld.idx.msk [tilespmem:v8+s3+$0x0], $0xffff;
	_ =	sdelay $0x3  }
0x66: {  	v7 =	vadd.s32 $0x9C40, v4  }
0x67: {  	v8 =	vadd.s32 $0x186A0, v3  }
0x68: {  	v5 =	vadd.f32 v6, v5;
	_ =	sdelay $0x1  }
0x69: {  	[tilespmem:v2+s21+$0x0 ss:$0x1] =	vst.idx.msk $0xffff, v5  }
0x6a: {  	v5 =	vld.idx.msk [tilespmem:v7+s3+$0x0], $0xffff  }
0x6b: {  	v6 =	vld.idx.msk [tilespmem:v8+s3+$0x0], $0xffff;
	_ =	sdelay $0x3  }
0x6c: {  	v4 =	vadd.s32 $0xC350, v4;
	v7 =	vadd.s32 $0x1ADB0, v3;
	_ =	sdelay $0x1  }
.Ltmp0:
0x6d: {  	v3 =	vadd.f32 v6, v5;
	(pc) =	sbr.rel @p1 .LBB2_3-.Ltmp0, $4  }
0x6e: {  	_ = 	snop  }
0x6f: {  	[tilespmem:v2+s21+$0x190 ss:$0x1] =	vst.idx.msk $0xffff, v3  }
0x70: {  	v3 =	vld.idx.msk [tilespmem:v4+s3+$0x0], $0xffff  }
0x71: {  	v4 =	vld.idx.msk [tilespmem:v7+s3+$0x0], $0xffff  }
0x72: {  	_ =	sdelay $0x3  }
0x73: {  	v0 =	vadd.f32 v4, v3  }
0x74: {  	p1 =	slt.u32 s19, $0x2  }
0x75: {  	s19 =	sadd.s32 @!p1 $0x3, s20;
	[tilespmem:v2+s21+$0x320 ss:$0x1] =	vst.idx.msk $0xffff, v0  }
0x76: {  	_ =	swait.ge @!p1 [sflag:s19], $0x960  }
0x77: {  	[sflag:s19] =	ssyncset.done @!p1 $0x0  }
0x78: {  	[sflag:s19] =	ssyncadd.s32 @!p1 $0xFFFFF6A0;
	p1 =	sne.s32 s18, $0x19  }
.Ltmp1:
0x79: {  	_ = 	snop;
	(pc) =	sbr.rel @p1 .LBB2_2-.Ltmp1, $4  }
0x7a: {  	s29 =	smul.u32 $0x32, s23  }
0x7b: {  	s30 =	sadd.s32 $0x3, s20  }
0x7c: {  	p0 =	por !p0, !p0;
	s31 =	sadd.s32 s5, s29;
	s19 =	smov.u32 s18  }
0x7d: {  	[hbm4b:s31+s13] =	stream.strided.scatter [tilespmem:s22], [sflag:s30], $0x960, s14, s13, $0x38;
	[tilespmem:$0x1EDC0] =	vst v63  }
0x7e: {  	s17 =	sadd.s32 $0x1, s17  }
0x7f: {  	_ =	swait.ge [sflag:s15], $0x960;
	p0 =	sne.s32 s17, s9  }
.Ltmp2:
0x80: {  	[sflag:s15] =	ssyncset.done $0x0;
	(pc) =	sbr.rel @p0 .LBB2_1-.Ltmp2, $4  }
0x81: {  	[sflag:s15] =	ssyncadd.s32 $0xFFFFF6A0  }
0x82: {  	_ =	swait.ge [sflag:s16], $0x960  }
0x83: {  	[sflag:s16] =	ssyncset.done $0x0  }
0x84: {  	[sflag:s16] =	ssyncadd.s32 $0xFFFFF6A0  }
0x85: {  	_ =	sfence.sel $0x180000  }
0x86: {  	[bflag:$0x0] =	sbarrier.arrive $0xFFFF  }
0x87: {  	p0 =	sne.s32 s0, $0x0;
	_ =	strace $0x90000047  }
0x88: {  	s0 =	sadd.s32 @!p0 $0x100000, s1;
	[bflag:$0x2] =	sbarrier.arrive $0xFFFF  }
0x89: {  	[sflag:s0] =	ssyncadd.tile.s32 @!p0 $0x1;
	_ =	shalt  }
.Lfunc_end2:
_tile_overlayer_lowered:
.L_overlay_start_2:
0x8a: {  	(tag) =	ssettag $0x2  }
0x8b: {  	s0 =	rddreg [dreg:$0x0];
	s2 =	stileid.u32  }
0x8c: {  	s1 =	rddreg [dreg:$0x1];
	p0 =	sne.s32 s2, $0x0  }
0x8d: {  	s3 =	rddreg [dreg:$0x2];
	[bflag:$0x3] =	sbarrier.arrive $0xFFFF;
	s2 =	simm.s32 @!p0 $0x1C05  }
0x8e: {  	[timem:s3], [sflag:s2] =	dma.local @!p0 [hbm:s0], s1  }
0x8f: {  	s0 =	simm.s32 @!p0 $0x5  }
0x90: {  	_ =	swait.ge @!p0 [sflag:s0], s1  }
0x91: {  	s1 =	ssub.s32 @!p0 $0x0, s1;
	[sflag:s0] =	ssyncset.done @!p0 $0x0  }
0x92: {  	[sflag:s0] =	ssyncadd.s32 @!p0 s1  }
0x93: {  	[bflag:$0x3] =	sbarrier.arrive $0xFFFF  }
0x94: {  	_ =	shalt  }

</sc_bundles>
